<compile_context>
chip_gen: v7x
topology: tpu7x:2x2x1
jax: 0.10.2.dev20260603
libtpu: 0.0.44.dev20260713+nightly
codegen_flags: <defaults>
</compile_context>

<pallas_src>
import functools

import jax
import jax.numpy as jnp
from jax import lax
from jax.experimental import pallas as pl
from jax.experimental.pallas import tpu as pltpu
from jax.experimental.pallas import tpu_sc as plsc

N = 65536
NNZ = 4194304
IN_DIM = 512
OUT_DIM = 512

NC = 2
NS = 16
NW = NC * NS
EPT = NNZ // NW
CH = 8192
NCHUNK = EPT // CH
NPAIR = NCHUNK // 2
L = 16

BM = 4096
BK = 4096


def _mv_in_body(w_ref, x_ref, b_ref, o_ref):
    acc = jnp.dot(w_ref[...], x_ref[...], preferred_element_type=jnp.float32)
    o_ref[...] = jnp.maximum(acc + b_ref[...], 0.0)


def _h_matvec(W_in, x, b_in):
    grid = N // BM
    return pl.pallas_call(
        _mv_in_body,
        grid=(grid,),
        in_specs=[
            pl.BlockSpec((BM, IN_DIM), lambda i: (i, 0)),
            pl.BlockSpec((IN_DIM, 1), lambda i: (0, 0)),
            pl.BlockSpec((BM, 1), lambda i: (i, 0)),
        ],
        out_specs=pl.BlockSpec((BM, 1), lambda i: (i, 0)),
        out_shape=jax.ShapeDtypeStruct((N, 1), jnp.float32),
    )(W_in, x.reshape(IN_DIM, 1), b_in.reshape(N, 1))


def _mv_out_body(w_ref, yp_ref, b_ref, o_ref):
    i = pl.program_id(0)
    v = jnp.maximum(jnp.sum(yp_ref[...], axis=0), 0.0).reshape(BK, 1)
    part = jnp.dot(w_ref[...], v, preferred_element_type=jnp.float32)

    @pl.when(i == 0)
    def _():
        o_ref[...] = b_ref[...] + part

    @pl.when(i > 0)
    def _():
        o_ref[...] += part


def _out_matvec(W_out, y_parts, b_out):
    grid = N // BK
    return pl.pallas_call(
        _mv_out_body,
        grid=(grid,),
        in_specs=[
            pl.BlockSpec((OUT_DIM, BK), lambda i: (0, i)),
            pl.BlockSpec((NW, BK), lambda i: (0, i)),
            pl.BlockSpec((OUT_DIM, 1), lambda i: (0, 0)),
        ],
        out_specs=pl.BlockSpec((OUT_DIM, 1), lambda i: (0, 0)),
        out_shape=jax.ShapeDtypeStruct((OUT_DIM, 1), jnp.float32),
    )(W_out, y_parts, b_out.reshape(OUT_DIM, 1))


def _sc_edge_body(h_hbm, cols_hbm, w_hbm, rows_hbm, yp_hbm, c_hbm,
                  hy_v, ia_v, ib_v, va_v, vb_v, ca_v, cb_v,
                  h_sp,
                  sia, sib, sva, svb, sca, scb):
    core = lax.axis_index("c")
    sid = lax.axis_index("s")
    wid = sid * NC + core
    base = wid * EPT

    def start_in(src, ci, buf, sem):
        pltpu.async_copy(src.at[pl.ds(base + ci * CH, CH)], buf, sem)

    def wait_in(src, buf, sem):
        pltpu.make_async_copy(src.at[pl.ds(base, CH)], buf, sem).wait()

    cbase = wid * (EPT // 2)
    CH2 = CH // 2

    def start_cin(ci, buf, sem):
        pltpu.async_copy(c_hbm.at[pl.ds(cbase + ci * CH2, CH2)], buf, sem)

    def wait_cin(buf, sem):
        pltpu.make_async_copy(c_hbm.at[pl.ds(cbase, CH2)], buf, sem).wait()

    def start_out(buf, ci, sem):
        pltpu.async_copy(buf, c_hbm.at[pl.ds(cbase + ci * CH2, CH2)], sem)

    def wait_out(buf, sem):
        pltpu.make_async_copy(buf, c_hbm.at[pl.ds(cbase, CH2)], sem).wait()

    @pl.when(sid == 0)
    def _():
        pltpu.sync_copy(h_hbm, h_sp)

    plsc.subcore_barrier()
    pltpu.sync_copy(h_sp, hy_v)
    start_in(cols_hbm, 0, ia_v, sia)
    start_in(w_hbm, 0, va_v, sva)

    def compute_a(idx_v, w_v, c_v):
        @plsc.parallel_loop(0, CH // (2 * L), unroll=4)
        def _(j):
            s0 = pl.ds(j * 2 * L, L)
            s1 = pl.ds(j * 2 * L + L, L)
            g0 = plsc.load_gather(hy_v, [idx_v[s0]]) * w_v[s0]
            g1 = plsc.load_gather(hy_v, [idx_v[s1]]) * w_v[s1]
            c_v[pl.ds(j * L, L)] = plsc.bitcast(
                plsc.pack(g0, g1, format=plsc.PackFormat.INTERLEAVED),
                jnp.float32)

    def pair_a(p, _):
        even = 2 * p
        start_in(cols_hbm, even + 1, ib_v, sib)
        start_in(w_hbm, even + 1, vb_v, svb)
        wait_in(cols_hbm, ia_v, sia)
        wait_in(w_hbm, va_v, sva)

        @pl.when(p > 0)
        def _():
            wait_out(ca_v, sca)

        compute_a(ia_v, va_v, ca_v)
        start_out(ca_v, even, sca)

        @pl.when(p < NPAIR - 1)
        def _():
            start_in(cols_hbm, even + 2, ia_v, sia)
            start_in(w_hbm, even + 2, va_v, sva)

        wait_in(cols_hbm, ib_v, sib)
        wait_in(w_hbm, vb_v, svb)

        @pl.when(p > 0)
        def _():
            wait_out(cb_v, scb)

        compute_a(ib_v, vb_v, cb_v)
        start_out(cb_v, even + 1, scb)
        return 0

    lax.fori_loop(0, NPAIR, pair_a, 0)
    wait_out(ca_v, sca)
    wait_out(cb_v, scb)

    zeros = jnp.zeros((L,), jnp.float32)

    @plsc.parallel_loop(0, N // L, unroll=8)
    def _(i):
        hy_v[pl.ds(i * L, L)] = zeros

    start_in(rows_hbm, 0, ia_v, sia)
    start_cin(0, ca_v, sca)

    def compute_b(idx_v, c_v):
        def vec_b(j, _):
            cc = plsc.bitcast(c_v[pl.ds(j * L, L)], jnp.bfloat16)
            c0, c1 = plsc.unpack(cc, format=plsc.PackFormat.INTERLEAVED)
            plsc.addupdate_scatter(hy_v, [idx_v[pl.ds(j * 2 * L, L)]], c0)
            plsc.addupdate_scatter(hy_v, [idx_v[pl.ds(j * 2 * L + L, L)]], c1)
            return 0

        lax.fori_loop(0, CH // (2 * L), vec_b, 0, unroll=4)

    def pair_b(p, _):
        even = 2 * p
        start_in(rows_hbm, even + 1, ib_v, sib)
        start_cin(even + 1, cb_v, scb)
        wait_in(rows_hbm, ia_v, sia)
        wait_cin(ca_v, sca)
        compute_b(ia_v, ca_v)

        @pl.when(p < NPAIR - 1)
        def _():
            start_in(rows_hbm, even + 2, ia_v, sia)
            start_cin(even + 2, ca_v, sca)

        wait_in(rows_hbm, ib_v, sib)
        wait_cin(cb_v, scb)
        compute_b(ib_v, cb_v)
        return 0

    lax.fori_loop(0, NPAIR, pair_b, 0)
    pltpu.sync_copy(hy_v, yp_hbm.at[wid])


_sc_edges = functools.partial(
    pl.kernel,
    out_type=(
        jax.ShapeDtypeStruct((NW, N), jnp.float32),
        jax.ShapeDtypeStruct((NNZ // 2,), jnp.float32),
    ),
    mesh=plsc.VectorSubcoreMesh(
        core_axis_name="c", subcore_axis_name="s",
        num_cores=NC, num_subcores=NS,
    ),
    scratch_types=[
        pltpu.VMEM((N,), jnp.float32),
        pltpu.VMEM((CH,), jnp.int32),
        pltpu.VMEM((CH,), jnp.int32),
        pltpu.VMEM((CH,), jnp.float32),
        pltpu.VMEM((CH,), jnp.float32),
        pltpu.VMEM((CH // 2,), jnp.float32),
        pltpu.VMEM((CH // 2,), jnp.float32),
        pltpu.VMEM_SHARED((N,), jnp.float32),
        pltpu.SemaphoreType.DMA,
        pltpu.SemaphoreType.DMA,
        pltpu.SemaphoreType.DMA,
        pltpu.SemaphoreType.DMA,
        pltpu.SemaphoreType.DMA,
        pltpu.SemaphoreType.DMA,
    ],
    compiler_params=pltpu.CompilerParams(needs_layout_passes=False),
)(_sc_edge_body)


def kernel(x, rows, cols, adj_weights, W_in, b_in, W_out, b_out):
    h = _h_matvec(W_in, x, b_in)
    y_parts, _ = _sc_edges(h.reshape(N), cols, adj_weights, rows)
    out = _out_matvec(W_out, y_parts, b_out)
    return out.reshape(OUT_DIM)

# --- scband reference (transcript-rebuilt; emitter-appended) ---
"""Pipeline reference for scband-hunger-modulated-policy-36163624633171 (READ-ONLY COPY).

The authoritative reference and input builder live on the scoring server;
editing this copy changes nothing except your own understanding.
"""

import jax, jax.numpy as jnp
import numpy as np

N = 65536        # hidden_dim == sparse adjacency side
NNZ = 4194304    # n*n*density with density=0.001
IN_DIM = 512
OUT_DIM = 512


def setup_inputs(seed: int = 0) -> dict:
    key = jax.random.key(seed)
    ks = jax.random.split(key, 9)
    x = jax.random.normal(ks[0], (IN_DIM,), dtype=jnp.float32)
    # adjacency (coalesced COO): rows/cols int, learned per-nnz weights ~ U[0,1)
    rows = jax.random.randint(ks[1], (NNZ,), 0, N, dtype=jnp.int32)
    cols = jax.random.randint(ks[2], (NNZ,), 0, N, dtype=jnp.int32)
    adj_weights = jax.random.uniform(ks[3], (NNZ,), dtype=jnp.float32)
    # input_proj: Linear(IN_DIM -> N), torch-style uniform init
    lim_in = 1.0 / np.sqrt(IN_DIM)
    W_in = jax.random.uniform(ks[4], (N, IN_DIM), dtype=jnp.float32, minval=-lim_in, maxval=lim_in)
    b_in = jax.random.uniform(ks[5], (N,), dtype=jnp.float32, minval=-lim_in, maxval=lim_in)
    # output: Linear(N -> OUT_DIM)
    lim_out = 1.0 / np.sqrt(N)
    W_out = jax.random.uniform(ks[6], (OUT_DIM, N), dtype=jnp.float32, minval=-lim_out, maxval=lim_out)
    b_out = jax.random.uniform(ks[7], (OUT_DIM,), dtype=jnp.float32, minval=-lim_out, maxval=lim_out)
    return {"x": x, "rows": rows, "cols": cols, "adj_weights": adj_weights,
            "W_in": W_in, "b_in": b_in, "W_out": W_out, "b_out": b_out}


def reference(x, rows, cols, adj_weights, W_in, b_in, W_out, b_out):
    # h = relu(input_proj(x)) : [N]
    h = jax.nn.relu(W_in @ x + b_in)
    # sparse matvec: y[r] += w_e * h[c] for each nnz (r, c)
    gathered = adj_weights * jnp.take(h, cols, axis=0)
    y = jax.ops.segment_sum(gathered, rows, num_segments=N)
    # output(relu(y)) : [OUT_DIM]
    return W_out @ jax.nn.relu(y) + b_out

if __name__ == "__main__":
    import jax
    _d = setup_inputs()
    print(jax.jit(kernel)(*tuple(_d.values())))

</pallas_src>

<mosaic_0001>
#map = affine_map<(d0, d1) -> (0)>
#map1 = affine_map<(d0, d1) -> (0, 0)>
module attributes {stable_mosaic.version = 14 : i64} {
  func.func @_sc_edge_body(%arg0: i32, %arg1: i32, %arg2: memref<65536xf32, #tpu.memory_space<hbm>>, %arg3: memref<4194304xi32, #tpu.memory_space<hbm>>, %arg4: memref<4194304xf32, #tpu.memory_space<hbm>>, %arg5: memref<4194304xi32, #tpu.memory_space<hbm>>, %arg6: memref<32x65536xf32, #tpu.memory_space<hbm>>, %arg7: memref<2097152xf32, #tpu.memory_space<hbm>>, %arg8: memref<65536xf32, #tpu.memory_space<vmem>>, %arg9: memref<8192xi32, #tpu.memory_space<vmem>>, %arg10: memref<8192xi32, #tpu.memory_space<vmem>>, %arg11: memref<8192xf32, #tpu.memory_space<vmem>>, %arg12: memref<8192xf32, #tpu.memory_space<vmem>>, %arg13: memref<4096xf32, #tpu.memory_space<vmem>>, %arg14: memref<4096xf32, #tpu.memory_space<vmem>>, %arg15: memref<65536xf32, #tpu.memory_space<vmem_shared>>, %arg16: memref<!tpu.dma_semaphore, #tpu.memory_space<semaphore_mem>>, %arg17: memref<!tpu.dma_semaphore, #tpu.memory_space<semaphore_mem>>, %arg18: memref<!tpu.dma_semaphore, #tpu.memory_space<semaphore_mem>>, %arg19: memref<!tpu.dma_semaphore, #tpu.memory_space<semaphore_mem>>, %arg20: memref<!tpu.dma_semaphore, #tpu.memory_space<semaphore_mem>>, %arg21: memref<!tpu.dma_semaphore, #tpu.memory_space<semaphore_mem>>) attributes {dimension_semantics = [#tpu.dimension_semantics<core_parallel>, #tpu.dimension_semantics<subcore_parallel>], iteration_bounds = array<i64: 2, 16>, scalar_prefetch = 0 : i64, scratch_operands = 14 : i64, tpu.core_type = #tpu.core_type<sc_vector_subcore>, window_params = [{transform_indices = #map}, {transform_indices = #map}, {transform_indices = #map}, {transform_indices = #map}, {transform_indices = #map1}, {transform_indices = #map}]} {
    %mul3A = arith.constant 2 : i32
    %mul3A_0 = arith.muli %arg1, %mul3A : i32
    %add3A = arith.addi %mul3A_0, %arg0 : i32
    %mul3A_1 = arith.constant 131072 : i32
    %mul3A_2 = arith.muli %add3A, %mul3A_1 : i32
    %mul3A_3 = arith.constant 65536 : i32
    %mul3A_4 = arith.muli %add3A, %mul3A_3 : i32
    %eq3A = arith.constant 0 : i32
    %eq3A_5 = arith.cmpi eq, %arg1, %eq3A : i32
    %convert_element_type3A = arith.extui %eq3A_5 : i1 to i32
    %cond3A = arith.constant 0 : i32
    %cond3A_6 = arith.cmpi ne, %convert_element_type3A, %cond3A : i32
    scf.if %cond3A_6 {
      "tpu.region"() ({
        %run_scoped3A = tpu.sem_alloc : memref<!tpu.dma_semaphore, #tpu.memory_space<semaphore_mem>>
        tpu.enqueue_dma source(%arg2 : memref<65536xf32, #tpu.memory_space<hbm>>) target(%arg15 : memref<65536xf32, #tpu.memory_space<vmem_shared>>) target_semaphore(%run_scoped3A : memref<!tpu.dma_semaphore, #tpu.memory_space<semaphore_mem>>)
        tpu.wait_dma2 semaphore(%run_scoped3A : memref<!tpu.dma_semaphore, #tpu.memory_space<semaphore_mem>>) src(%arg2 : memref<65536xf32, #tpu.memory_space<hbm>>) dst(%arg15 : memref<65536xf32, #tpu.memory_space<vmem_shared>>)
        tpu.yield
      }) : () -> ()
    } else {
    }
    %barrier3A = arith.constant 0 : index
    tpu.barrier barrier_id(%barrier3A)
    "tpu.region"() ({
      %run_scoped3A = tpu.sem_alloc : memref<!tpu.dma_semaphore, #tpu.memory_space<semaphore_mem>>
      tpu.enqueue_dma source(%arg15 : memref<65536xf32, #tpu.memory_space<vmem_shared>>) target(%arg8 : memref<65536xf32, #tpu.memory_space<vmem>>) target_semaphore(%run_scoped3A : memref<!tpu.dma_semaphore, #tpu.memory_space<semaphore_mem>>)
      tpu.wait_dma2 semaphore(%run_scoped3A : memref<!tpu.dma_semaphore, #tpu.memory_space<semaphore_mem>>) src(%arg15 : memref<65536xf32, #tpu.memory_space<vmem_shared>>) dst(%arg8 : memref<65536xf32, #tpu.memory_space<vmem>>)
      tpu.yield
    }) : () -> ()
    %add3A_7 = arith.constant 0 : i32
    %add3A_8 = arith.addi %mul3A_2, %add3A_7 : i32
    %dma_start3A = tpu.memref_slice %arg3[%add3A_8] : memref<4194304xi32, #tpu.memory_space<hbm>> -> memref<8192xi32, #tpu.memory_space<hbm>>
    %dma_start3A_9 = tpu.memref_slice %arg3[%add3A_8] : memref<4194304xi32, #tpu.memory_space<hbm>> -> memref<8192xi32, #tpu.memory_space<hbm>>
    tpu.enqueue_dma source(%dma_start3A_9 : memref<8192xi32, #tpu.memory_space<hbm>>) target(%arg9 : memref<8192xi32, #tpu.memory_space<vmem>>) target_semaphore(%arg16 : memref<!tpu.dma_semaphore, #tpu.memory_space<semaphore_mem>>)
    %add3A_10 = arith.constant 0 : i32
    %add3A_11 = arith.addi %mul3A_2, %add3A_10 : i32
    %dma_start3A_12 = tpu.memref_slice %arg4[%add3A_11] : memref<4194304xf32, #tpu.memory_space<hbm>> -> memref<8192xf32, #tpu.memory_space<hbm>>
    %dma_start3A_13 = tpu.memref_slice %arg4[%add3A_11] : memref<4194304xf32, #tpu.memory_space<hbm>> -> memref<8192xf32, #tpu.memory_space<hbm>>
    tpu.enqueue_dma source(%dma_start3A_13 : memref<8192xf32, #tpu.memory_space<hbm>>) target(%arg11 : memref<8192xf32, #tpu.memory_space<vmem>>) target_semaphore(%arg18 : memref<!tpu.dma_semaphore, #tpu.memory_space<semaphore_mem>>)
    %scan3A = arith.constant 0 : i32
    %scan3A_14 = arith.constant 0 : i32
    %scan3A_15 = arith.constant 8 : i32
    %scan3A_16 = arith.addi %scan3A_14, %scan3A_15 : i32
    %scan3A_17 = arith.constant 1 : i32
    %scan3A_18 = scf.for %scan3A_41 = %scan3A_14 to %scan3A_16 step %scan3A_17 iter_args(%scan3A_42 = %scan3A) -> (i32)  : i32 {
      %mul3A_43 = arith.constant 2 : i32
      %mul3A_44 = arith.muli %mul3A_43, %scan3A_41 : i32
      %add3A_45 = arith.constant 1 : i32
      %add3A_46 = arith.addi %mul3A_44, %add3A_45 : i32
      %mul3A_47 = arith.constant 8192 : i32
      %mul3A_48 = arith.muli %add3A_46, %mul3A_47 : i32
      %add3A_49 = arith.addi %mul3A_2, %mul3A_48 : i32
      %dma_start3A_50 = tpu.memref_slice %arg3[%add3A_49] : memref<4194304xi32, #tpu.memory_space<hbm>> -> memref<8192xi32, #tpu.memory_space<hbm>>
      %dma_start3A_51 = tpu.memref_slice %arg3[%add3A_49] : memref<4194304xi32, #tpu.memory_space<hbm>> -> memref<8192xi32, #tpu.memory_space<hbm>>
      tpu.enqueue_dma source(%dma_start3A_51 : memref<8192xi32, #tpu.memory_space<hbm>>) target(%arg10 : memref<8192xi32, #tpu.memory_space<vmem>>) target_semaphore(%arg17 : memref<!tpu.dma_semaphore, #tpu.memory_space<semaphore_mem>>)
      %add3A_52 = arith.constant 1 : i32
      %add3A_53 = arith.addi %mul3A_44, %add3A_52 : i32
      %mul3A_54 = arith.constant 8192 : i32
      %mul3A_55 = arith.muli %add3A_53, %mul3A_54 : i32
      %add3A_56 = arith.addi %mul3A_2, %mul3A_55 : i32
      %dma_start3A_57 = tpu.memref_slice %arg4[%add3A_56] : memref<4194304xf32, #tpu.memory_space<hbm>> -> memref<8192xf32, #tpu.memory_space<hbm>>
      %dma_start3A_58 = tpu.memref_slice %arg4[%add3A_56] : memref<4194304xf32, #tpu.memory_space<hbm>> -> memref<8192xf32, #tpu.memory_space<hbm>>
      tpu.enqueue_dma source(%dma_start3A_58 : memref<8192xf32, #tpu.memory_space<hbm>>) target(%arg12 : memref<8192xf32, #tpu.memory_space<vmem>>) target_semaphore(%arg19 : memref<!tpu.dma_semaphore, #tpu.memory_space<semaphore_mem>>)
      %dma_wait3A_59 = tpu.memref_slice %arg3[%mul3A_2] : memref<4194304xi32, #tpu.memory_space<hbm>> -> memref<8192xi32, #tpu.memory_space<hbm>>
      %dma_wait3A_60 = tpu.memref_slice %arg3[%mul3A_2] : memref<4194304xi32, #tpu.memory_space<hbm>> -> memref<8192xi32, #tpu.memory_space<hbm>>
      tpu.wait_dma2 semaphore(%arg16 : memref<!tpu.dma_semaphore, #tpu.memory_space<semaphore_mem>>) src(%dma_wait3A_60 : memref<8192xi32, #tpu.memory_space<hbm>>) dst(%arg9 : memref<8192xi32, #tpu.memory_space<vmem>>)
      %dma_wait3A_61 = tpu.memref_slice %arg4[%mul3A_2] : memref<4194304xf32, #tpu.memory_space<hbm>> -> memref<8192xf32, #tpu.memory_space<hbm>>
      %dma_wait3A_62 = tpu.memref_slice %arg4[%mul3A_2] : memref<4194304xf32, #tpu.memory_space<hbm>> -> memref<8192xf32, #tpu.memory_space<hbm>>
      tpu.wait_dma2 semaphore(%arg18 : memref<!tpu.dma_semaphore, #tpu.memory_space<semaphore_mem>>) src(%dma_wait3A_62 : memref<8192xf32, #tpu.memory_space<hbm>>) dst(%arg11 : memref<8192xf32, #tpu.memory_space<vmem>>)
      %gt3A = arith.constant 0 : i32
      %gt3A_63 = arith.cmpi sgt, %scan3A_41, %gt3A : i32
      %convert_element_type3A_64 = arith.extui %gt3A_63 : i1 to i32
      %cond3A_65 = arith.constant 0 : i32
      %cond3A_66 = arith.cmpi ne, %convert_element_type3A_64, %cond3A_65 : i32
      scf.if %cond3A_66 {
        %dma_wait3A_99 = tpu.memref_slice %arg7[%mul3A_4] : memref<2097152xf32, #tpu.memory_space<hbm>> -> memref<4096xf32, #tpu.memory_space<hbm>>
        %dma_wait3A_100 = tpu.memref_slice %arg7[%mul3A_4] : memref<2097152xf32, #tpu.memory_space<hbm>> -> memref<4096xf32, #tpu.memory_space<hbm>>
        tpu.wait_dma2 semaphore(%arg20 : memref<!tpu.dma_semaphore, #tpu.memory_space<semaphore_mem>>) src(%arg13 : memref<4096xf32, #tpu.memory_space<vmem>>) dst(%dma_wait3A_100 : memref<4096xf32, #tpu.memory_space<hbm>>)
      } else {
      }
      %parallel_loop3A_67 = arith.constant 0 : i32
      %parallel_loop3A_68 = arith.constant 256 : i32
      %parallel_loop3A_69 = arith.constant 1 : i32
      scf.for %parallel_loop3A_99 = %parallel_loop3A_67 to %parallel_loop3A_68 step %parallel_loop3A_69  : i32 {
        %parallel_loop3A_100 = arith.constant 2 : i32
        %parallel_loop3A_101 = arith.muli %parallel_loop3A_99, %parallel_loop3A_100 : i32
        %parallel_loop3A_102 = arith.constant 16 : i32
        %parallel_loop3A_103 = arith.muli %parallel_loop3A_101, %parallel_loop3A_102 : i32
        %parallel_loop3A_104 = arith.constant 2 : i32
        %parallel_loop3A_105 = arith.muli %parallel_loop3A_99, %parallel_loop3A_104 : i32
        %parallel_loop3A_106 = arith.constant 16 : i32
        %parallel_loop3A_107 = arith.muli %parallel_loop3A_105, %parallel_loop3A_106 : i32
        %parallel_loop3A_108 = arith.constant 16 : i32
        %parallel_loop3A_109 = arith.addi %parallel_loop3A_107, %parallel_loop3A_108 : i32
        %parallel_loop3A_110 = arith.index_cast %parallel_loop3A_103 : i32 to index
        %parallel_loop3A_111 = tpu.vector_load %arg9[%parallel_loop3A_110] {strides = array<i32>} : memref<8192xi32, #tpu.memory_space<vmem>>, vector<16xi32>,
        %parallel_loop3A_112 = tpu.vector_load_idx %arg8[%parallel_loop3A_111] : memref<65536xf32, #tpu.memory_space<vmem>>[vector<16xi32>], vector<16xf32>,
        %parallel_loop3A_113 = arith.index_cast %parallel_loop3A_103 : i32 to index
        %parallel_loop3A_114 = tpu.vector_load %arg11[%parallel_loop3A_113] {strides = array<i32>} : memref<8192xf32, #tpu.memory_space<vmem>>, vector<16xf32>,
        %parallel_loop3A_115 = arith.mulf %parallel_loop3A_112, %parallel_loop3A_114 : vector<16xf32>
        %parallel_loop3A_116 = arith.index_cast %parallel_loop3A_109 : i32 to index
        %parallel_loop3A_117 = tpu.vector_load %arg9[%parallel_loop3A_116] {strides = array<i32>} : memref<8192xi32, #tpu.memory_space<vmem>>, vector<16xi32>,
        %parallel_loop3A_118 = tpu.vector_load_idx %arg8[%parallel_loop3A_117] : memref<65536xf32, #tpu.memory_space<vmem>>[vector<16xi32>], vector<16xf32>,
        %parallel_loop3A_119 = arith.index_cast %parallel_loop3A_109 : i32 to index
        %parallel_loop3A_120 = tpu.vector_load %arg11[%parallel_loop3A_119] {strides = array<i32>} : memref<8192xf32, #tpu.memory_space<vmem>>, vector<16xf32>,
        %parallel_loop3A_121 = arith.mulf %parallel_loop3A_118, %parallel_loop3A_120 : vector<16xf32>
        %parallel_loop3A_122 = tpu.pack_subelements %parallel_loop3A_115, %parallel_loop3A_121 {pack_format = #tpu.pack_format<interleaved>, positions = array<i32: 0, 1>} : vector<16xf32>, vector<16xf32> -> vector<32xbf16>
        %parallel_loop3A_123 = vector.bitcast %parallel_loop3A_122 : vector<32xbf16> to vector<16xf32>
        %parallel_loop3A_124 = arith.constant 16 : i32
        %parallel_loop3A_125 = arith.muli %parallel_loop3A_99, %parallel_loop3A_124 : i32
        %parallel_loop3A_126 = arith.index_cast %parallel_loop3A_125 : i32 to index
        %parallel_loop3A_127 = tpu.vector_load %arg13[%parallel_loop3A_126] {strides = array<i32>} : memref<4096xf32, #tpu.memory_space<vmem>>, vector<16xf32>,
        tpu.vector_store %arg13[%parallel_loop3A_126], %parallel_loop3A_123 {strides = array<i32>} : memref<4096xf32, #tpu.memory_space<vmem>>, vector<16xf32>,
      } {sc.loop_unroll_factor = 4 : i64, sc.parallel_access}
      %mul3A_70 = arith.constant 4096 : i32
      %mul3A_71 = arith.muli %mul3A_44, %mul3A_70 : i32
      %add3A_72 = arith.addi %mul3A_4, %mul3A_71 : i32
      %dma_start3A_73 = tpu.memref_slice %arg7[%add3A_72] : memref<2097152xf32, #tpu.memory_space<hbm>> -> memref<4096xf32, #tpu.memory_space<hbm>>
      %dma_start3A_74 = tpu.memref_slice %arg7[%add3A_72] : memref<2097152xf32, #tpu.memory_space<hbm>> -> memref<4096xf32, #tpu.memory_space<hbm>>
      tpu.enqueue_dma source(%arg13 : memref<4096xf32, #tpu.memory_space<vmem>>) target(%dma_start3A_74 : memref<4096xf32, #tpu.memory_space<hbm>>) target_semaphore(%arg20 : memref<!tpu.dma_semaphore, #tpu.memory_space<semaphore_mem>>)
      %lt3A = arith.constant 7 : i32
      %lt3A_75 = arith.cmpi slt, %scan3A_41, %lt3A : i32
      %convert_element_type3A_76 = arith.extui %lt3A_75 : i1 to i32
      %cond3A_77 = arith.constant 0 : i32
      %cond3A_78 = arith.cmpi ne, %convert_element_type3A_76, %cond3A_77 : i32
      scf.if %cond3A_78 {
        %add3A_99 = arith.constant 2 : i32
        %add3A_100 = arith.addi %mul3A_44, %add3A_99 : i32
        %mul3A_101 = arith.constant 8192 : i32
        %mul3A_102 = arith.muli %add3A_100, %mul3A_101 : i32
        %add3A_103 = arith.addi %mul3A_2, %mul3A_102 : i32
        %dma_start3A_104 = tpu.memref_slice %arg3[%add3A_103] : memref<4194304xi32, #tpu.memory_space<hbm>> -> memref<8192xi32, #tpu.memory_space<hbm>>
        %dma_start3A_105 = tpu.memref_slice %arg3[%add3A_103] : memref<4194304xi32, #tpu.memory_space<hbm>> -> memref<8192xi32, #tpu.memory_space<hbm>>
        tpu.enqueue_dma source(%dma_start3A_105 : memref<8192xi32, #tpu.memory_space<hbm>>) target(%arg9 : memref<8192xi32, #tpu.memory_space<vmem>>) target_semaphore(%arg16 : memref<!tpu.dma_semaphore, #tpu.memory_space<semaphore_mem>>)
        %add3A_106 = arith.constant 2 : i32
        %add3A_107 = arith.addi %mul3A_44, %add3A_106 : i32
        %mul3A_108 = arith.constant 8192 : i32
        %mul3A_109 = arith.muli %add3A_107, %mul3A_108 : i32
        %add3A_110 = arith.addi %mul3A_2, %mul3A_109 : i32
        %dma_start3A_111 = tpu.memref_slice %arg4[%add3A_110] : memref<4194304xf32, #tpu.memory_space<hbm>> -> memref<8192xf32, #tpu.memory_space<hbm>>
        %dma_start3A_112 = tpu.memref_slice %arg4[%add3A_110] : memref<4194304xf32, #tpu.memory_space<hbm>> -> memref<8192xf32, #tpu.memory_space<hbm>>
        tpu.enqueue_dma source(%dma_start3A_112 : memref<8192xf32, #tpu.memory_space<hbm>>) target(%arg11 : memref<8192xf32, #tpu.memory_space<vmem>>) target_semaphore(%arg18 : memref<!tpu.dma_semaphore, #tpu.memory_space<semaphore_mem>>)
      } else {
      }
      %dma_wait3A_79 = tpu.memref_slice %arg3[%mul3A_2] : memref<4194304xi32, #tpu.memory_space<hbm>> -> memref<8192xi32, #tpu.memory_space<hbm>>
      %dma_wait3A_80 = tpu.memref_slice %arg3[%mul3A_2] : memref<4194304xi32, #tpu.memory_space<hbm>> -> memref<8192xi32, #tpu.memory_space<hbm>>
      tpu.wait_dma2 semaphore(%arg17 : memref<!tpu.dma_semaphore, #tpu.memory_space<semaphore_mem>>) src(%dma_wait3A_80 : memref<8192xi32, #tpu.memory_space<hbm>>) dst(%arg10 : memref<8192xi32, #tpu.memory_space<vmem>>)
      %dma_wait3A_81 = tpu.memref_slice %arg4[%mul3A_2] : memref<4194304xf32, #tpu.memory_space<hbm>> -> memref<8192xf32, #tpu.memory_space<hbm>>
      %dma_wait3A_82 = tpu.memref_slice %arg4[%mul3A_2] : memref<4194304xf32, #tpu.memory_space<hbm>> -> memref<8192xf32, #tpu.memory_space<hbm>>
      tpu.wait_dma2 semaphore(%arg19 : memref<!tpu.dma_semaphore, #tpu.memory_space<semaphore_mem>>) src(%dma_wait3A_82 : memref<8192xf32, #tpu.memory_space<hbm>>) dst(%arg12 : memref<8192xf32, #tpu.memory_space<vmem>>)
      %gt3A_83 = arith.constant 0 : i32
      %gt3A_84 = arith.cmpi sgt, %scan3A_41, %gt3A_83 : i32
      %convert_element_type3A_85 = arith.extui %gt3A_84 : i1 to i32
      %cond3A_86 = arith.constant 0 : i32
      %cond3A_87 = arith.cmpi ne, %convert_element_type3A_85, %cond3A_86 : i32
      scf.if %cond3A_87 {
        %dma_wait3A_99 = tpu.memref_slice %arg7[%mul3A_4] : memref<2097152xf32, #tpu.memory_space<hbm>> -> memref<4096xf32, #tpu.memory_space<hbm>>
        %dma_wait3A_100 = tpu.memref_slice %arg7[%mul3A_4] : memref<2097152xf32, #tpu.memory_space<hbm>> -> memref<4096xf32, #tpu.memory_space<hbm>>
        tpu.wait_dma2 semaphore(%arg21 : memref<!tpu.dma_semaphore, #tpu.memory_space<semaphore_mem>>) src(%arg14 : memref<4096xf32, #tpu.memory_space<vmem>>) dst(%dma_wait3A_100 : memref<4096xf32, #tpu.memory_space<hbm>>)
      } else {
      }
      %parallel_loop3A_88 = arith.constant 0 : i32
      %parallel_loop3A_89 = arith.constant 256 : i32
      %parallel_loop3A_90 = arith.constant 1 : i32
      scf.for %parallel_loop3A_99 = %parallel_loop3A_88 to %parallel_loop3A_89 step %parallel_loop3A_90  : i32 {
        %parallel_loop3A_100 = arith.constant 2 : i32
        %parallel_loop3A_101 = arith.muli %parallel_loop3A_99, %parallel_loop3A_100 : i32
        %parallel_loop3A_102 = arith.constant 16 : i32
        %parallel_loop3A_103 = arith.muli %parallel_loop3A_101, %parallel_loop3A_102 : i32
        %parallel_loop3A_104 = arith.constant 2 : i32
        %parallel_loop3A_105 = arith.muli %parallel_loop3A_99, %parallel_loop3A_104 : i32
        %parallel_loop3A_106 = arith.constant 16 : i32
        %parallel_loop3A_107 = arith.muli %parallel_loop3A_105, %parallel_loop3A_106 : i32
        %parallel_loop3A_108 = arith.constant 16 : i32
        %parallel_loop3A_109 = arith.addi %parallel_loop3A_107, %parallel_loop3A_108 : i32
        %parallel_loop3A_110 = arith.index_cast %parallel_loop3A_103 : i32 to index
        %parallel_loop3A_111 = tpu.vector_load %arg10[%parallel_loop3A_110] {strides = array<i32>} : memref<8192xi32, #tpu.memory_space<vmem>>, vector<16xi32>,
        %parallel_loop3A_112 = tpu.vector_load_idx %arg8[%parallel_loop3A_111] : memref<65536xf32, #tpu.memory_space<vmem>>[vector<16xi32>], vector<16xf32>,
        %parallel_loop3A_113 = arith.index_cast %parallel_loop3A_103 : i32 to index
        %parallel_loop3A_114 = tpu.vector_load %arg12[%parallel_loop3A_113] {strides = array<i32>} : memref<8192xf32, #tpu.memory_space<vmem>>, vector<16xf32>,
        %parallel_loop3A_115 = arith.mulf %parallel_loop3A_112, %parallel_loop3A_114 : vector<16xf32>
        %parallel_loop3A_116 = arith.index_cast %parallel_loop3A_109 : i32 to index
        %parallel_loop3A_117 = tpu.vector_load %arg10[%parallel_loop3A_116] {strides = array<i32>} : memref<8192xi32, #tpu.memory_space<vmem>>, vector<16xi32>,
        %parallel_loop3A_118 = tpu.vector_load_idx %arg8[%parallel_loop3A_117] : memref<65536xf32, #tpu.memory_space<vmem>>[vector<16xi32>], vector<16xf32>,
        %parallel_loop3A_119 = arith.index_cast %parallel_loop3A_109 : i32 to index
        %parallel_loop3A_120 = tpu.vector_load %arg12[%parallel_loop3A_119] {strides = array<i32>} : memref<8192xf32, #tpu.memory_space<vmem>>, vector<16xf32>,
        %parallel_loop3A_121 = arith.mulf %parallel_loop3A_118, %parallel_loop3A_120 : vector<16xf32>
        %parallel_loop3A_122 = tpu.pack_subelements %parallel_loop3A_115, %parallel_loop3A_121 {pack_format = #tpu.pack_format<interleaved>, positions = array<i32: 0, 1>} : vector<16xf32>, vector<16xf32> -> vector<32xbf16>
        %parallel_loop3A_123 = vector.bitcast %parallel_loop3A_122 : vector<32xbf16> to vector<16xf32>
        %parallel_loop3A_124 = arith.constant 16 : i32
        %parallel_loop3A_125 = arith.muli %parallel_loop3A_99, %parallel_loop3A_124 : i32
        %parallel_loop3A_126 = arith.index_cast %parallel_loop3A_125 : i32 to index
        %parallel_loop3A_127 = tpu.vector_load %arg14[%parallel_loop3A_126] {strides = array<i32>} : memref<4096xf32, #tpu.memory_space<vmem>>, vector<16xf32>,
        tpu.vector_store %arg14[%parallel_loop3A_126], %parallel_loop3A_123 {strides = array<i32>} : memref<4096xf32, #tpu.memory_space<vmem>>, vector<16xf32>,
      } {sc.loop_unroll_factor = 4 : i64, sc.parallel_access}
      %add3A_91 = arith.constant 1 : i32
      %add3A_92 = arith.addi %mul3A_44, %add3A_91 : i32
      %mul3A_93 = arith.constant 4096 : i32
      %mul3A_94 = arith.muli %add3A_92, %mul3A_93 : i32
      %add3A_95 = arith.addi %mul3A_4, %mul3A_94 : i32
      %dma_start3A_96 = tpu.memref_slice %arg7[%add3A_95] : memref<2097152xf32, #tpu.memory_space<hbm>> -> memref<4096xf32, #tpu.memory_space<hbm>>
      %dma_start3A_97 = tpu.memref_slice %arg7[%add3A_95] : memref<2097152xf32, #tpu.memory_space<hbm>> -> memref<4096xf32, #tpu.memory_space<hbm>>
      tpu.enqueue_dma source(%arg14 : memref<4096xf32, #tpu.memory_space<vmem>>) target(%dma_start3A_97 : memref<4096xf32, #tpu.memory_space<hbm>>) target_semaphore(%arg21 : memref<!tpu.dma_semaphore, #tpu.memory_space<semaphore_mem>>)
      %scan3A_98 = arith.constant 0 : i32
      scf.yield %scan3A_98 : i32
    }
    %scan3A_19 = arith.constant 8 : i32
    %dma_wait3A = tpu.memref_slice %arg7[%mul3A_4] : memref<2097152xf32, #tpu.memory_space<hbm>> -> memref<4096xf32, #tpu.memory_space<hbm>>
    %dma_wait3A_20 = tpu.memref_slice %arg7[%mul3A_4] : memref<2097152xf32, #tpu.memory_space<hbm>> -> memref<4096xf32, #tpu.memory_space<hbm>>
    tpu.wait_dma2 semaphore(%arg20 : memref<!tpu.dma_semaphore, #tpu.memory_space<semaphore_mem>>) src(%arg13 : memref<4096xf32, #tpu.memory_space<vmem>>) dst(%dma_wait3A_20 : memref<4096xf32, #tpu.memory_space<hbm>>)
    %dma_wait3A_21 = tpu.memref_slice %arg7[%mul3A_4] : memref<2097152xf32, #tpu.memory_space<hbm>> -> memref<4096xf32, #tpu.memory_space<hbm>>
    %dma_wait3A_22 = tpu.memref_slice %arg7[%mul3A_4] : memref<2097152xf32, #tpu.memory_space<hbm>> -> memref<4096xf32, #tpu.memory_space<hbm>>
    tpu.wait_dma2 semaphore(%arg21 : memref<!tpu.dma_semaphore, #tpu.memory_space<semaphore_mem>>) src(%arg14 : memref<4096xf32, #tpu.memory_space<vmem>>) dst(%dma_wait3A_22 : memref<4096xf32, #tpu.memory_space<hbm>>)
    %broadcast_in_dim3A = arith.constant 0.000000e+00 : f32
    %broadcast_in_dim3A_23 = vector.broadcast %broadcast_in_dim3A : f32 to vector<16xf32>
    %parallel_loop3A = arith.constant 0 : i32
    %parallel_loop3A_24 = arith.constant 4096 : i32
    %parallel_loop3A_25 = arith.constant 1 : i32
    scf.for %parallel_loop3A_41 = %parallel_loop3A to %parallel_loop3A_24 step %parallel_loop3A_25  : i32 {
      %parallel_loop3A_42 = arith.constant 16 : i32
      %parallel_loop3A_43 = arith.muli %parallel_loop3A_41, %parallel_loop3A_42 : i32
      %parallel_loop3A_44 = arith.index_cast %parallel_loop3A_43 : i32 to index
      %parallel_loop3A_45 = tpu.vector_load %arg8[%parallel_loop3A_44] {strides = array<i32>} : memref<65536xf32, #tpu.memory_space<vmem>>, vector<16xf32>,
      tpu.vector_store %arg8[%parallel_loop3A_44], %broadcast_in_dim3A_23 {strides = array<i32>} : memref<65536xf32, #tpu.memory_space<vmem>>, vector<16xf32>,
    } {sc.loop_unroll_factor = 8 : i64, sc.parallel_access}
    %add3A_26 = arith.constant 0 : i32
    %add3A_27 = arith.addi %mul3A_2, %add3A_26 : i32
    %dma_start3A_28 = tpu.memref_slice %arg5[%add3A_27] : memref<4194304xi32, #tpu.memory_space<hbm>> -> memref<8192xi32, #tpu.memory_space<hbm>>
    %dma_start3A_29 = tpu.memref_slice %arg5[%add3A_27] : memref<4194304xi32, #tpu.memory_space<hbm>> -> memref<8192xi32, #tpu.memory_space<hbm>>
    tpu.enqueue_dma source(%dma_start3A_29 : memref<8192xi32, #tpu.memory_space<hbm>>) target(%arg9 : memref<8192xi32, #tpu.memory_space<vmem>>) target_semaphore(%arg16 : memref<!tpu.dma_semaphore, #tpu.memory_space<semaphore_mem>>)
    %add3A_30 = arith.constant 0 : i32
    %add3A_31 = arith.addi %mul3A_4, %add3A_30 : i32
    %dma_start3A_32 = tpu.memref_slice %arg7[%add3A_31] : memref<2097152xf32, #tpu.memory_space<hbm>> -> memref<4096xf32, #tpu.memory_space<hbm>>
    %dma_start3A_33 = tpu.memref_slice %arg7[%add3A_31] : memref<2097152xf32, #tpu.memory_space<hbm>> -> memref<4096xf32, #tpu.memory_space<hbm>>
    tpu.enqueue_dma source(%dma_start3A_33 : memref<4096xf32, #tpu.memory_space<hbm>>) target(%arg13 : memref<4096xf32, #tpu.memory_space<vmem>>) target_semaphore(%arg20 : memref<!tpu.dma_semaphore, #tpu.memory_space<semaphore_mem>>)
    %scan3A_34 = arith.constant 0 : i32
    %scan3A_35 = arith.constant 0 : i32
    %scan3A_36 = arith.constant 8 : i32
    %scan3A_37 = arith.addi %scan3A_35, %scan3A_36 : i32
    %scan3A_38 = arith.constant 1 : i32
    %scan3A_39 = scf.for %scan3A_41 = %scan3A_35 to %scan3A_37 step %scan3A_38 iter_args(%scan3A_42 = %scan3A_34) -> (i32)  : i32 {
      %mul3A_43 = arith.constant 2 : i32
      %mul3A_44 = arith.muli %mul3A_43, %scan3A_41 : i32
      %add3A_45 = arith.constant 1 : i32
      %add3A_46 = arith.addi %mul3A_44, %add3A_45 : i32
      %mul3A_47 = arith.constant 8192 : i32
      %mul3A_48 = arith.muli %add3A_46, %mul3A_47 : i32
      %add3A_49 = arith.addi %mul3A_2, %mul3A_48 : i32
      %dma_start3A_50 = tpu.memref_slice %arg5[%add3A_49] : memref<4194304xi32, #tpu.memory_space<hbm>> -> memref<8192xi32, #tpu.memory_space<hbm>>
      %dma_start3A_51 = tpu.memref_slice %arg5[%add3A_49] : memref<4194304xi32, #tpu.memory_space<hbm>> -> memref<8192xi32, #tpu.memory_space<hbm>>
      tpu.enqueue_dma source(%dma_start3A_51 : memref<8192xi32, #tpu.memory_space<hbm>>) target(%arg10 : memref<8192xi32, #tpu.memory_space<vmem>>) target_semaphore(%arg17 : memref<!tpu.dma_semaphore, #tpu.memory_space<semaphore_mem>>)
      %add3A_52 = arith.constant 1 : i32
      %add3A_53 = arith.addi %mul3A_44, %add3A_52 : i32
      %mul3A_54 = arith.constant 4096 : i32
      %mul3A_55 = arith.muli %add3A_53, %mul3A_54 : i32
      %add3A_56 = arith.addi %mul3A_4, %mul3A_55 : i32
      %dma_start3A_57 = tpu.memref_slice %arg7[%add3A_56] : memref<2097152xf32, #tpu.memory_space<hbm>> -> memref<4096xf32, #tpu.memory_space<hbm>>
      %dma_start3A_58 = tpu.memref_slice %arg7[%add3A_56] : memref<2097152xf32, #tpu.memory_space<hbm>> -> memref<4096xf32, #tpu.memory_space<hbm>>
      tpu.enqueue_dma source(%dma_start3A_58 : memref<4096xf32, #tpu.memory_space<hbm>>) target(%arg14 : memref<4096xf32, #tpu.memory_space<vmem>>) target_semaphore(%arg21 : memref<!tpu.dma_semaphore, #tpu.memory_space<semaphore_mem>>)
      %dma_wait3A_59 = tpu.memref_slice %arg5[%mul3A_2] : memref<4194304xi32, #tpu.memory_space<hbm>> -> memref<8192xi32, #tpu.memory_space<hbm>>
      %dma_wait3A_60 = tpu.memref_slice %arg5[%mul3A_2] : memref<4194304xi32, #tpu.memory_space<hbm>> -> memref<8192xi32, #tpu.memory_space<hbm>>
      tpu.wait_dma2 semaphore(%arg16 : memref<!tpu.dma_semaphore, #tpu.memory_space<semaphore_mem>>) src(%dma_wait3A_60 : memref<8192xi32, #tpu.memory_space<hbm>>) dst(%arg9 : memref<8192xi32, #tpu.memory_space<vmem>>)
      %dma_wait3A_61 = tpu.memref_slice %arg7[%mul3A_4] : memref<2097152xf32, #tpu.memory_space<hbm>> -> memref<4096xf32, #tpu.memory_space<hbm>>
      %dma_wait3A_62 = tpu.memref_slice %arg7[%mul3A_4] : memref<2097152xf32, #tpu.memory_space<hbm>> -> memref<4096xf32, #tpu.memory_space<hbm>>
      tpu.wait_dma2 semaphore(%arg20 : memref<!tpu.dma_semaphore, #tpu.memory_space<semaphore_mem>>) src(%dma_wait3A_62 : memref<4096xf32, #tpu.memory_space<hbm>>) dst(%arg13 : memref<4096xf32, #tpu.memory_space<vmem>>)
      %scan3A_63 = arith.constant 0 : i32
      %scan3A_64 = arith.constant 0 : i32
      %scan3A_65 = arith.constant 256 : i32
      %scan3A_66 = arith.addi %scan3A_64, %scan3A_65 : i32
      %scan3A_67 = arith.constant 4 : i32
      %scan3A_68 = scf.for %scan3A_86 = %scan3A_64 to %scan3A_66 step %scan3A_67 iter_args(%scan3A_87 = %scan3A_63) -> (i32)  : i32 {
        %mul3A_88 = arith.constant 16 : i32
        %mul3A_89 = arith.muli %scan3A_86, %mul3A_88 : i32
        %get3A = arith.index_cast %mul3A_89 : i32 to index
        %get3A_90 = tpu.vector_load %arg13[%get3A] {strides = array<i32>} : memref<4096xf32, #tpu.memory_space<vmem>>, vector<16xf32>,
        %bitcast3A = vector.bitcast %get3A_90 : vector<16xf32> to vector<32xbf16>
        %unpack3A = tpu.unpack_subelements %bitcast3A, 0 {pack_format = #tpu.pack_format<interleaved>} : vector<32xbf16> -> vector<16xf32>
        %unpack3A_91 = tpu.unpack_subelements %bitcast3A, 1 {pack_format = #tpu.pack_format<interleaved>} : vector<32xbf16> -> vector<16xf32>
        %mul3A_92 = arith.constant 2 : i32
        %mul3A_93 = arith.muli %scan3A_86, %mul3A_92 : i32
        %mul3A_94 = arith.constant 16 : i32
        %mul3A_95 = arith.muli %mul3A_93, %mul3A_94 : i32
        %get3A_96 = arith.index_cast %mul3A_95 : i32 to index
        %get3A_97 = tpu.vector_load %arg9[%get3A_96] {strides = array<i32>} : memref<8192xi32, #tpu.memory_space<vmem>>, vector<16xi32>,
        tpu.vector_store_idx %arg8[%get3A_97], %unpack3A {add = true} : memref<65536xf32, #tpu.memory_space<vmem>>[vector<16xi32>], vector<16xf32>,
        %mul3A_98 = arith.constant 2 : i32
        %mul3A_99 = arith.muli %scan3A_86, %mul3A_98 : i32
        %mul3A_100 = arith.constant 16 : i32
        %mul3A_101 = arith.muli %mul3A_99, %mul3A_100 : i32
        %add3A_102 = arith.constant 16 : i32
        %add3A_103 = arith.addi %mul3A_101, %add3A_102 : i32
        %get3A_104 = arith.index_cast %add3A_103 : i32 to index
        %get3A_105 = tpu.vector_load %arg9[%get3A_104] {strides = array<i32>} : memref<8192xi32, #tpu.memory_space<vmem>>, vector<16xi32>,
        tpu.vector_store_idx %arg8[%get3A_105], %unpack3A_91 {add = true} : memref<65536xf32, #tpu.memory_space<vmem>>[vector<16xi32>], vector<16xf32>,
        %scan3A_106 = arith.constant 0 : i32
        %scan3A_107 = arith.constant 1 : i32
        %scan3A_108 = arith.addi %scan3A_86, %scan3A_107 : i32
        %mul3A_109 = arith.constant 16 : i32
        %mul3A_110 = arith.muli %scan3A_108, %mul3A_109 : i32
        %get3A_111 = arith.index_cast %mul3A_110 : i32 to index
        %get3A_112 = tpu.vector_load %arg13[%get3A_111] {strides = array<i32>} : memref<4096xf32, #tpu.memory_space<vmem>>, vector<16xf32>,
        %bitcast3A_113 = vector.bitcast %get3A_112 : vector<16xf32> to vector<32xbf16>
        %unpack3A_114 = tpu.unpack_subelements %bitcast3A_113, 0 {pack_format = #tpu.pack_format<interleaved>} : vector<32xbf16> -> vector<16xf32>
        %unpack3A_115 = tpu.unpack_subelements %bitcast3A_113, 1 {pack_format = #tpu.pack_format<interleaved>} : vector<32xbf16> -> vector<16xf32>
        %mul3A_116 = arith.constant 2 : i32
        %mul3A_117 = arith.muli %scan3A_108, %mul3A_116 : i32
        %mul3A_118 = arith.constant 16 : i32
        %mul3A_119 = arith.muli %mul3A_117, %mul3A_118 : i32
        %get3A_120 = arith.index_cast %mul3A_119 : i32 to index
        %get3A_121 = tpu.vector_load %arg9[%get3A_120] {strides = array<i32>} : memref<8192xi32, #tpu.memory_space<vmem>>, vector<16xi32>,
        tpu.vector_store_idx %arg8[%get3A_121], %unpack3A_114 {add = true} : memref<65536xf32, #tpu.memory_space<vmem>>[vector<16xi32>], vector<16xf32>,
        %mul3A_122 = arith.constant 2 : i32
        %mul3A_123 = arith.muli %scan3A_108, %mul3A_122 : i32
        %mul3A_124 = arith.constant 16 : i32
        %mul3A_125 = arith.muli %mul3A_123, %mul3A_124 : i32
        %add3A_126 = arith.constant 16 : i32
        %add3A_127 = arith.addi %mul3A_125, %add3A_126 : i32
        %get3A_128 = arith.index_cast %add3A_127 : i32 to index
        %get3A_129 = tpu.vector_load %arg9[%get3A_128] {strides = array<i32>} : memref<8192xi32, #tpu.memory_space<vmem>>, vector<16xi32>,
        tpu.vector_store_idx %arg8[%get3A_129], %unpack3A_115 {add = true} : memref<65536xf32, #tpu.memory_space<vmem>>[vector<16xi32>], vector<16xf32>,
        %scan3A_130 = arith.constant 0 : i32
        %scan3A_131 = arith.constant 2 : i32
        %scan3A_132 = arith.addi %scan3A_86, %scan3A_131 : i32
        %mul3A_133 = arith.constant 16 : i32
        %mul3A_134 = arith.muli %scan3A_132, %mul3A_133 : i32
        %get3A_135 = arith.index_cast %mul3A_134 : i32 to index
        %get3A_136 = tpu.vector_load %arg13[%get3A_135] {strides = array<i32>} : memref<4096xf32, #tpu.memory_space<vmem>>, vector<16xf32>,
        %bitcast3A_137 = vector.bitcast %get3A_136 : vector<16xf32> to vector<32xbf16>
        %unpack3A_138 = tpu.unpack_subelements %bitcast3A_137, 0 {pack_format = #tpu.pack_format<interleaved>} : vector<32xbf16> -> vector<16xf32>
        %unpack3A_139 = tpu.unpack_subelements %bitcast3A_137, 1 {pack_format = #tpu.pack_format<interleaved>} : vector<32xbf16> -> vector<16xf32>
        %mul3A_140 = arith.constant 2 : i32
        %mul3A_141 = arith.muli %scan3A_132, %mul3A_140 : i32
        %mul3A_142 = arith.constant 16 : i32
        %mul3A_143 = arith.muli %mul3A_141, %mul3A_142 : i32
        %get3A_144 = arith.index_cast %mul3A_143 : i32 to index
        %get3A_145 = tpu.vector_load %arg9[%get3A_144] {strides = array<i32>} : memref<8192xi32, #tpu.memory_space<vmem>>, vector<16xi32>,
        tpu.vector_store_idx %arg8[%get3A_145], %unpack3A_138 {add = true} : memref<65536xf32, #tpu.memory_space<vmem>>[vector<16xi32>], vector<16xf32>,
        %mul3A_146 = arith.constant 2 : i32
        %mul3A_147 = arith.muli %scan3A_132, %mul3A_146 : i32
        %mul3A_148 = arith.constant 16 : i32
        %mul3A_149 = arith.muli %mul3A_147, %mul3A_148 : i32
        %add3A_150 = arith.constant 16 : i32
        %add3A_151 = arith.addi %mul3A_149, %add3A_150 : i32
        %get3A_152 = arith.index_cast %add3A_151 : i32 to index
        %get3A_153 = tpu.vector_load %arg9[%get3A_152] {strides = array<i32>} : memref<8192xi32, #tpu.memory_space<vmem>>, vector<16xi32>,
        tpu.vector_store_idx %arg8[%get3A_153], %unpack3A_139 {add = true} : memref<65536xf32, #tpu.memory_space<vmem>>[vector<16xi32>], vector<16xf32>,
        %scan3A_154 = arith.constant 0 : i32
        %scan3A_155 = arith.constant 3 : i32
        %scan3A_156 = arith.addi %scan3A_86, %scan3A_155 : i32
        %mul3A_157 = arith.constant 16 : i32
        %mul3A_158 = arith.muli %scan3A_156, %mul3A_157 : i32
        %get3A_159 = arith.index_cast %mul3A_158 : i32 to index
        %get3A_160 = tpu.vector_load %arg13[%get3A_159] {strides = array<i32>} : memref<4096xf32, #tpu.memory_space<vmem>>, vector<16xf32>,
        %bitcast3A_161 = vector.bitcast %get3A_160 : vector<16xf32> to vector<32xbf16>
        %unpack3A_162 = tpu.unpack_subelements %bitcast3A_161, 0 {pack_format = #tpu.pack_format<interleaved>} : vector<32xbf16> -> vector<16xf32>
        %unpack3A_163 = tpu.unpack_subelements %bitcast3A_161, 1 {pack_format = #tpu.pack_format<interleaved>} : vector<32xbf16> -> vector<16xf32>
        %mul3A_164 = arith.constant 2 : i32
        %mul3A_165 = arith.muli %scan3A_156, %mul3A_164 : i32
        %mul3A_166 = arith.constant 16 : i32
        %mul3A_167 = arith.muli %mul3A_165, %mul3A_166 : i32
        %get3A_168 = arith.index_cast %mul3A_167 : i32 to index
        %get3A_169 = tpu.vector_load %arg9[%get3A_168] {strides = array<i32>} : memref<8192xi32, #tpu.memory_space<vmem>>, vector<16xi32>,
        tpu.vector_store_idx %arg8[%get3A_169], %unpack3A_162 {add = true} : memref<65536xf32, #tpu.memory_space<vmem>>[vector<16xi32>], vector<16xf32>,
        %mul3A_170 = arith.constant 2 : i32
        %mul3A_171 = arith.muli %scan3A_156, %mul3A_170 : i32
        %mul3A_172 = arith.constant 16 : i32
        %mul3A_173 = arith.muli %mul3A_171, %mul3A_172 : i32
        %add3A_174 = arith.constant 16 : i32
        %add3A_175 = arith.addi %mul3A_173, %add3A_174 : i32
        %get3A_176 = arith.index_cast %add3A_175 : i32 to index
        %get3A_177 = tpu.vector_load %arg9[%get3A_176] {strides = array<i32>} : memref<8192xi32, #tpu.memory_space<vmem>>, vector<16xi32>,
        tpu.vector_store_idx %arg8[%get3A_177], %unpack3A_163 {add = true} : memref<65536xf32, #tpu.memory_space<vmem>>[vector<16xi32>], vector<16xf32>,
        %scan3A_178 = arith.constant 0 : i32
        scf.yield %scan3A_178 : i32
      }
      %scan3A_69 = arith.constant 256 : i32
      %lt3A = arith.constant 7 : i32
      %lt3A_70 = arith.cmpi slt, %scan3A_41, %lt3A : i32
      %convert_element_type3A_71 = arith.extui %lt3A_70 : i1 to i32
      %cond3A_72 = arith.constant 0 : i32
      %cond3A_73 = arith.cmpi ne, %convert_element_type3A_71, %cond3A_72 : i32
      scf.if %cond3A_73 {
        %add3A_86 = arith.constant 2 : i32
        %add3A_87 = arith.addi %mul3A_44, %add3A_86 : i32
        %mul3A_88 = arith.constant 8192 : i32
        %mul3A_89 = arith.muli %add3A_87, %mul3A_88 : i32
        %add3A_90 = arith.addi %mul3A_2, %mul3A_89 : i32
        %dma_start3A_91 = tpu.memref_slice %arg5[%add3A_90] : memref<4194304xi32, #tpu.memory_space<hbm>> -> memref<8192xi32, #tpu.memory_space<hbm>>
        %dma_start3A_92 = tpu.memref_slice %arg5[%add3A_90] : memref<4194304xi32, #tpu.memory_space<hbm>> -> memref<8192xi32, #tpu.memory_space<hbm>>
        tpu.enqueue_dma source(%dma_start3A_92 : memref<8192xi32, #tpu.memory_space<hbm>>) target(%arg9 : memref<8192xi32, #tpu.memory_space<vmem>>) target_semaphore(%arg16 : memref<!tpu.dma_semaphore, #tpu.memory_space<semaphore_mem>>)
        %add3A_93 = arith.constant 2 : i32
        %add3A_94 = arith.addi %mul3A_44, %add3A_93 : i32
        %mul3A_95 = arith.constant 4096 : i32
        %mul3A_96 = arith.muli %add3A_94, %mul3A_95 : i32
        %add3A_97 = arith.addi %mul3A_4, %mul3A_96 : i32
        %dma_start3A_98 = tpu.memref_slice %arg7[%add3A_97] : memref<2097152xf32, #tpu.memory_space<hbm>> -> memref<4096xf32, #tpu.memory_space<hbm>>
        %dma_start3A_99 = tpu.memref_slice %arg7[%add3A_97] : memref<2097152xf32, #tpu.memory_space<hbm>> -> memref<4096xf32, #tpu.memory_space<hbm>>
        tpu.enqueue_dma source(%dma_start3A_99 : memref<4096xf32, #tpu.memory_space<hbm>>) target(%arg13 : memref<4096xf32, #tpu.memory_space<vmem>>) target_semaphore(%arg20 : memref<!tpu.dma_semaphore, #tpu.memory_space<semaphore_mem>>)
      } else {
      }
      %dma_wait3A_74 = tpu.memref_slice %arg5[%mul3A_2] : memref<4194304xi32, #tpu.memory_space<hbm>> -> memref<8192xi32, #tpu.memory_space<hbm>>
      %dma_wait3A_75 = tpu.memref_slice %arg5[%mul3A_2] : memref<4194304xi32, #tpu.memory_space<hbm>> -> memref<8192xi32, #tpu.memory_space<hbm>>
      tpu.wait_dma2 semaphore(%arg17 : memref<!tpu.dma_semaphore, #tpu.memory_space<semaphore_mem>>) src(%dma_wait3A_75 : memref<8192xi32, #tpu.memory_space<hbm>>) dst(%arg10 : memref<8192xi32, #tpu.memory_space<vmem>>)
      %dma_wait3A_76 = tpu.memref_slice %arg7[%mul3A_4] : memref<2097152xf32, #tpu.memory_space<hbm>> -> memref<4096xf32, #tpu.memory_space<hbm>>
      %dma_wait3A_77 = tpu.memref_slice %arg7[%mul3A_4] : memref<2097152xf32, #tpu.memory_space<hbm>> -> memref<4096xf32, #tpu.memory_space<hbm>>
      tpu.wait_dma2 semaphore(%arg21 : memref<!tpu.dma_semaphore, #tpu.memory_space<semaphore_mem>>) src(%dma_wait3A_77 : memref<4096xf32, #tpu.memory_space<hbm>>) dst(%arg14 : memref<4096xf32, #tpu.memory_space<vmem>>)
      %scan3A_78 = arith.constant 0 : i32
      %scan3A_79 = arith.constant 0 : i32
      %scan3A_80 = arith.constant 256 : i32
      %scan3A_81 = arith.addi %scan3A_79, %scan3A_80 : i32
      %scan3A_82 = arith.constant 4 : i32
      %scan3A_83 = scf.for %scan3A_86 = %scan3A_79 to %scan3A_81 step %scan3A_82 iter_args(%scan3A_87 = %scan3A_78) -> (i32)  : i32 {
        %mul3A_88 = arith.constant 16 : i32
        %mul3A_89 = arith.muli %scan3A_86, %mul3A_88 : i32
        %get3A = arith.index_cast %mul3A_89 : i32 to index
        %get3A_90 = tpu.vector_load %arg14[%get3A] {strides = array<i32>} : memref<4096xf32, #tpu.memory_space<vmem>>, vector<16xf32>,
        %bitcast3A = vector.bitcast %get3A_90 : vector<16xf32> to vector<32xbf16>
        %unpack3A = tpu.unpack_subelements %bitcast3A, 0 {pack_format = #tpu.pack_format<interleaved>} : vector<32xbf16> -> vector<16xf32>
        %unpack3A_91 = tpu.unpack_subelements %bitcast3A, 1 {pack_format = #tpu.pack_format<interleaved>} : vector<32xbf16> -> vector<16xf32>
        %mul3A_92 = arith.constant 2 : i32
        %mul3A_93 = arith.muli %scan3A_86, %mul3A_92 : i32
        %mul3A_94 = arith.constant 16 : i32
        %mul3A_95 = arith.muli %mul3A_93, %mul3A_94 : i32
        %get3A_96 = arith.index_cast %mul3A_95 : i32 to index
        %get3A_97 = tpu.vector_load %arg10[%get3A_96] {strides = array<i32>} : memref<8192xi32, #tpu.memory_space<vmem>>, vector<16xi32>,
        tpu.vector_store_idx %arg8[%get3A_97], %unpack3A {add = true} : memref<65536xf32, #tpu.memory_space<vmem>>[vector<16xi32>], vector<16xf32>,
        %mul3A_98 = arith.constant 2 : i32
        %mul3A_99 = arith.muli %scan3A_86, %mul3A_98 : i32
        %mul3A_100 = arith.constant 16 : i32
        %mul3A_101 = arith.muli %mul3A_99, %mul3A_100 : i32
        %add3A_102 = arith.constant 16 : i32
        %add3A_103 = arith.addi %mul3A_101, %add3A_102 : i32
        %get3A_104 = arith.index_cast %add3A_103 : i32 to index
        %get3A_105 = tpu.vector_load %arg10[%get3A_104] {strides = array<i32>} : memref<8192xi32, #tpu.memory_space<vmem>>, vector<16xi32>,
        tpu.vector_store_idx %arg8[%get3A_105], %unpack3A_91 {add = true} : memref<65536xf32, #tpu.memory_space<vmem>>[vector<16xi32>], vector<16xf32>,
        %scan3A_106 = arith.constant 0 : i32
        %scan3A_107 = arith.constant 1 : i32
        %scan3A_108 = arith.addi %scan3A_86, %scan3A_107 : i32
        %mul3A_109 = arith.constant 16 : i32
        %mul3A_110 = arith.muli %scan3A_108, %mul3A_109 : i32
        %get3A_111 = arith.index_cast %mul3A_110 : i32 to index
        %get3A_112 = tpu.vector_load %arg14[%get3A_111] {strides = array<i32>} : memref<4096xf32, #tpu.memory_space<vmem>>, vector<16xf32>,
        %bitcast3A_113 = vector.bitcast %get3A_112 : vector<16xf32> to vector<32xbf16>
        %unpack3A_114 = tpu.unpack_subelements %bitcast3A_113, 0 {pack_format = #tpu.pack_format<interleaved>} : vector<32xbf16> -> vector<16xf32>
        %unpack3A_115 = tpu.unpack_subelements %bitcast3A_113, 1 {pack_format = #tpu.pack_format<interleaved>} : vector<32xbf16> -> vector<16xf32>
        %mul3A_116 = arith.constant 2 : i32
        %mul3A_117 = arith.muli %scan3A_108, %mul3A_116 : i32
        %mul3A_118 = arith.constant 16 : i32
        %mul3A_119 = arith.muli %mul3A_117, %mul3A_118 : i32
        %get3A_120 = arith.index_cast %mul3A_119 : i32 to index
        %get3A_121 = tpu.vector_load %arg10[%get3A_120] {strides = array<i32>} : memref<8192xi32, #tpu.memory_space<vmem>>, vector<16xi32>,
        tpu.vector_store_idx %arg8[%get3A_121], %unpack3A_114 {add = true} : memref<65536xf32, #tpu.memory_space<vmem>>[vector<16xi32>], vector<16xf32>,
        %mul3A_122 = arith.constant 2 : i32
        %mul3A_123 = arith.muli %scan3A_108, %mul3A_122 : i32
        %mul3A_124 = arith.constant 16 : i32
        %mul3A_125 = arith.muli %mul3A_123, %mul3A_124 : i32
        %add3A_126 = arith.constant 16 : i32
        %add3A_127 = arith.addi %mul3A_125, %add3A_126 : i32
        %get3A_128 = arith.index_cast %add3A_127 : i32 to index
        %get3A_129 = tpu.vector_load %arg10[%get3A_128] {strides = array<i32>} : memref<8192xi32, #tpu.memory_space<vmem>>, vector<16xi32>,
        tpu.vector_store_idx %arg8[%get3A_129], %unpack3A_115 {add = true} : memref<65536xf32, #tpu.memory_space<vmem>>[vector<16xi32>], vector<16xf32>,
        %scan3A_130 = arith.constant 0 : i32
        %scan3A_131 = arith.constant 2 : i32
        %scan3A_132 = arith.addi %scan3A_86, %scan3A_131 : i32
        %mul3A_133 = arith.constant 16 : i32
        %mul3A_134 = arith.muli %scan3A_132, %mul3A_133 : i32
        %get3A_135 = arith.index_cast %mul3A_134 : i32 to index
        %get3A_136 = tpu.vector_load %arg14[%get3A_135] {strides = array<i32>} : memref<4096xf32, #tpu.memory_space<vmem>>, vector<16xf32>,
        %bitcast3A_137 = vector.bitcast %get3A_136 : vector<16xf32> to vector<32xbf16>
        %unpack3A_138 = tpu.unpack_subelements %bitcast3A_137, 0 {pack_format = #tpu.pack_format<interleaved>} : vector<32xbf16> -> vector<16xf32>
        %unpack3A_139 = tpu.unpack_subelements %bitcast3A_137, 1 {pack_format = #tpu.pack_format<interleaved>} : vector<32xbf16> -> vector<16xf32>
        %mul3A_140 = arith.constant 2 : i32
        %mul3A_141 = arith.muli %scan3A_132, %mul3A_140 : i32
        %mul3A_142 = arith.constant 16 : i32
        %mul3A_143 = arith.muli %mul3A_141, %mul3A_142 : i32
        %get3A_144 = arith.index_cast %mul3A_143 : i32 to index
        %get3A_145 = tpu.vector_load %arg10[%get3A_144] {strides = array<i32>} : memref<8192xi32, #tpu.memory_space<vmem>>, vector<16xi32>,
        tpu.vector_store_idx %arg8[%get3A_145], %unpack3A_138 {add = true} : memref<65536xf32, #tpu.memory_space<vmem>>[vector<16xi32>], vector<16xf32>,
        %mul3A_146 = arith.constant 2 : i32
        %mul3A_147 = arith.muli %scan3A_132, %mul3A_146 : i32
        %mul3A_148 = arith.constant 16 : i32
        %mul3A_149 = arith.muli %mul3A_147, %mul3A_148 : i32
        %add3A_150 = arith.constant 16 : i32
        %add3A_151 = arith.addi %mul3A_149, %add3A_150 : i32
        %get3A_152 = arith.index_cast %add3A_151 : i32 to index
        %get3A_153 = tpu.vector_load %arg10[%get3A_152] {strides = array<i32>} : memref<8192xi32, #tpu.memory_space<vmem>>, vector<16xi32>,
        tpu.vector_store_idx %arg8[%get3A_153], %unpack3A_139 {add = true} : memref<65536xf32, #tpu.memory_space<vmem>>[vector<16xi32>], vector<16xf32>,
        %scan3A_154 = arith.constant 0 : i32
        %scan3A_155 = arith.constant 3 : i32
        %scan3A_156 = arith.addi %scan3A_86, %scan3A_155 : i32
        %mul3A_157 = arith.constant 16 : i32
        %mul3A_158 = arith.muli %scan3A_156, %mul3A_157 : i32
        %get3A_159 = arith.index_cast %mul3A_158 : i32 to index
        %get3A_160 = tpu.vector_load %arg14[%get3A_159] {strides = array<i32>} : memref<4096xf32, #tpu.memory_space<vmem>>, vector<16xf32>,
        %bitcast3A_161 = vector.bitcast %get3A_160 : vector<16xf32> to vector<32xbf16>
        %unpack3A_162 = tpu.unpack_subelements %bitcast3A_161, 0 {pack_format = #tpu.pack_format<interleaved>} : vector<32xbf16> -> vector<16xf32>
        %unpack3A_163 = tpu.unpack_subelements %bitcast3A_161, 1 {pack_format = #tpu.pack_format<interleaved>} : vector<32xbf16> -> vector<16xf32>
        %mul3A_164 = arith.constant 2 : i32
        %mul3A_165 = arith.muli %scan3A_156, %mul3A_164 : i32
        %mul3A_166 = arith.constant 16 : i32
        %mul3A_167 = arith.muli %mul3A_165, %mul3A_166 : i32
        %get3A_168 = arith.index_cast %mul3A_167 : i32 to index
        %get3A_169 = tpu.vector_load %arg10[%get3A_168] {strides = array<i32>} : memref<8192xi32, #tpu.memory_space<vmem>>, vector<16xi32>,
        tpu.vector_store_idx %arg8[%get3A_169], %unpack3A_162 {add = true} : memref<65536xf32, #tpu.memory_space<vmem>>[vector<16xi32>], vector<16xf32>,
        %mul3A_170 = arith.constant 2 : i32
        %mul3A_171 = arith.muli %scan3A_156, %mul3A_170 : i32
        %mul3A_172 = arith.constant 16 : i32
        %mul3A_173 = arith.muli %mul3A_171, %mul3A_172 : i32
        %add3A_174 = arith.constant 16 : i32
        %add3A_175 = arith.addi %mul3A_173, %add3A_174 : i32
        %get3A_176 = arith.index_cast %add3A_175 : i32 to index
        %get3A_177 = tpu.vector_load %arg10[%get3A_176] {strides = array<i32>} : memref<8192xi32, #tpu.memory_space<vmem>>, vector<16xi32>,
        tpu.vector_store_idx %arg8[%get3A_177], %unpack3A_163 {add = true} : memref<65536xf32, #tpu.memory_space<vmem>>[vector<16xi32>], vector<16xf32>,
        %scan3A_178 = arith.constant 0 : i32
        scf.yield %scan3A_178 : i32
      }
      %scan3A_84 = arith.constant 256 : i32
      %scan3A_85 = arith.constant 0 : i32
      scf.yield %scan3A_85 : i32
    }
    %scan3A_40 = arith.constant 8 : i32
    "tpu.region"() ({
      %run_scoped3A = tpu.sem_alloc : memref<!tpu.dma_semaphore, #tpu.memory_space<semaphore_mem>>
      %dma_start3A_41 = arith.constant 0 : i32
      %dma_start3A_42 = tpu.memref_slice %arg6[%add3A, %dma_start3A_41] : memref<32x65536xf32, #tpu.memory_space<hbm>> -> memref<1x65536xf32, #tpu.memory_space<hbm>>
      %dma_start3A_43 = tpu.memref_squeeze %dma_start3A_42 : memref<1x65536xf32, #tpu.memory_space<hbm>> -> memref<65536xf32, #tpu.memory_space<hbm>>
      %dma_start3A_44 = arith.constant 0 : i32
      %dma_start3A_45 = tpu.memref_slice %arg6[%add3A, %dma_start3A_44] : memref<32x65536xf32, #tpu.memory_space<hbm>> -> memref<1x65536xf32, #tpu.memory_space<hbm>>
      %dma_start3A_46 = tpu.memref_squeeze %dma_start3A_45 : memref<1x65536xf32, #tpu.memory_space<hbm>> -> memref<65536xf32, #tpu.memory_space<hbm>>
      tpu.enqueue_dma source(%arg8 : memref<65536xf32, #tpu.memory_space<vmem>>) target(%dma_start3A_46 : memref<65536xf32, #tpu.memory_space<hbm>>) target_semaphore(%run_scoped3A : memref<!tpu.dma_semaphore, #tpu.memory_space<semaphore_mem>>)
      %dma_wait3A_47 = arith.constant 0 : i32
      %dma_wait3A_48 = tpu.memref_slice %arg6[%add3A, %dma_wait3A_47] : memref<32x65536xf32, #tpu.memory_space<hbm>> -> memref<1x65536xf32, #tpu.memory_space<hbm>>
      %dma_wait3A_49 = tpu.memref_squeeze %dma_wait3A_48 : memref<1x65536xf32, #tpu.memory_space<hbm>> -> memref<65536xf32, #tpu.memory_space<hbm>>
      %dma_wait3A_50 = arith.constant 0 : i32
      %dma_wait3A_51 = tpu.memref_slice %arg6[%add3A, %dma_wait3A_50] : memref<32x65536xf32, #tpu.memory_space<hbm>> -> memref<1x65536xf32, #tpu.memory_space<hbm>>
      %dma_wait3A_52 = tpu.memref_squeeze %dma_wait3A_51 : memref<1x65536xf32, #tpu.memory_space<hbm>> -> memref<65536xf32, #tpu.memory_space<hbm>>
      tpu.wait_dma2 semaphore(%run_scoped3A : memref<!tpu.dma_semaphore, #tpu.memory_space<semaphore_mem>>) src(%arg8 : memref<65536xf32, #tpu.memory_space<vmem>>) dst(%dma_wait3A_52 : memref<65536xf32, #tpu.memory_space<hbm>>)
      tpu.yield
    }) : () -> ()
    return
  }
}

module attributes {stable_mosaic.version = 14 : i64} {
  func.func @_mv_in_body(%arg0: i32, %arg1: memref<4096x512xf32, #tpu.memory_space<vmem>>, %arg2: memref<512x1xf32, #tpu.memory_space<vmem>>, %arg3: memref<4096x1xf32, #tpu.memory_space<vmem>>, %arg4: memref<4096x1xf32, #tpu.memory_space<vmem>>) attributes {dimension_semantics = [#tpu.dimension_semantics<arbitrary>], iteration_bounds = array<i64: 16>, scalar_prefetch = 0 : i64, scratch_operands = 0 : i64, tpu.core_type = #tpu.core_type<tc>, window_params = [{transform_indices = @transform_0, window_bounds = array<i64: 4096, 512>}, {pipeline_mode = #tpu.pipeline_mode<synchronous>, transform_indices = @transform_1, window_bounds = array<i64: 512, 1>}, {transform_indices = @transform_2, window_bounds = array<i64: 4096, 1>}, {transform_indices = @transform_3, window_bounds = array<i64: 4096, 1>}]} {
    %get3A = arith.constant 0 : index
    %get3A_0 = arith.constant 0 : index
    %get3A_1 = vector.load %arg1[%get3A, %get3A_0] : memref<4096x512xf32, #tpu.memory_space<vmem>>, vector<4096x512xf32>
    %get3A_2 = arith.constant 0 : index
    %get3A_3 = arith.constant 0 : index
    %get3A_4 = vector.load %arg2[%get3A_2, %get3A_3] : memref<512x1xf32, #tpu.memory_space<vmem>>, vector<512x1xf32>
    %dot_general3A = arith.constant dense<0.000000e+00> : vector<4096x1xf32>
    %dot_general3A_5 = tpu.matmul %get3A_1, %get3A_4, %dot_general3A {dimension_numbers = #tpu.dot_dimension_numbers<[1], [0], [0], [1], [0, 0, 1, 1], [], []>, transpose_lhs_hint = false} : vector<4096x512xf32>, vector<512x1xf32>, vector<4096x1xf32> -> vector<4096x1xf32>
    %get3A_6 = arith.constant 0 : index
    %get3A_7 = arith.constant 0 : index
    %get3A_8 = vector.load %arg3[%get3A_6, %get3A_7] : memref<4096x1xf32, #tpu.memory_space<vmem>>, vector<4096x1xf32>
    %add3A = arith.addf %dot_general3A_5, %get3A_8 : vector<4096x1xf32>
    %max3A = arith.constant 0.000000e+00 : f32
    %max3A_9 = vector.broadcast %max3A : f32 to vector<4096x1xf32>
    %max3A_10 = arith.maximumf %add3A, %max3A_9 : vector<4096x1xf32>
    %swap3A = arith.constant 0 : index
    %swap3A_11 = arith.constant 0 : index
    %swap3A_12 = vector.load %arg4[%swap3A, %swap3A_11] : memref<4096x1xf32, #tpu.memory_space<vmem>>, vector<4096x1xf32>
    tpu.vector_store %arg4[%swap3A, %swap3A_11], %max3A_10 {strides = array<i32>} : memref<4096x1xf32, #tpu.memory_space<vmem>>, vector<4096x1xf32>,
    return
  }
  func.func @transform_0(%arg0: i32) -> (i32, i32) {
    %c0_i32 = arith.constant 0 : i32
    %c0_i32_0 = arith.constant 0 : i32
    return %arg0, %c0_i32 : i32, i32
  }
  func.func @transform_1(%arg0: i32) -> (i32, i32) {
    %c0_i32 = arith.constant 0 : i32
    %c0_i32_0 = arith.constant 0 : i32
    %c0_i32_1 = arith.constant 0 : i32
    return %c0_i32, %c0_i32_0 : i32, i32
  }
  func.func @transform_2(%arg0: i32) -> (i32, i32) {
    %c0_i32 = arith.constant 0 : i32
    %c0_i32_0 = arith.constant 0 : i32
    return %arg0, %c0_i32 : i32, i32
  }
  func.func @transform_3(%arg0: i32) -> (i32, i32) {
    %c0_i32 = arith.constant 0 : i32
    %c0_i32_0 = arith.constant 0 : i32
    return %arg0, %c0_i32 : i32, i32
  }
}

module attributes {stable_mosaic.version = 14 : i64} {
  func.func @_mv_out_body(%arg0: i32, %arg1: memref<512x4096xf32, #tpu.memory_space<vmem>>, %arg2: memref<32x4096xf32, #tpu.memory_space<vmem>>, %arg3: memref<512x1xf32, #tpu.memory_space<vmem>>, %arg4: memref<512x1xf32, #tpu.memory_space<vmem>>) attributes {dimension_semantics = [#tpu.dimension_semantics<arbitrary>], iteration_bounds = array<i64: 16>, scalar_prefetch = 0 : i64, scratch_operands = 0 : i64, tpu.core_type = #tpu.core_type<tc>, window_params = [{transform_indices = @transform_0, window_bounds = array<i64: 512, 4096>}, {transform_indices = @transform_1, window_bounds = array<i64: 32, 4096>}, {pipeline_mode = #tpu.pipeline_mode<synchronous>, transform_indices = @transform_2, window_bounds = array<i64: 512, 1>}, {pipeline_mode = #tpu.pipeline_mode<synchronous>, transform_indices = @transform_3, window_bounds = array<i64: 512, 1>}]} {
    %get3A = arith.constant 0 : index
    %get3A_0 = arith.constant 0 : index
    %get3A_1 = vector.load %arg2[%get3A, %get3A_0] : memref<32x4096xf32, #tpu.memory_space<vmem>>, vector<32x4096xf32>
    %reduce_sum3A = arith.constant dense<0.000000e+00> : vector<4096xf32>
    %reduce_sum3A_2 = vector.multi_reduction <add>, %get3A_1, %reduce_sum3A [0] : vector<32x4096xf32> to vector<4096xf32>
    %max3A = arith.constant 0.000000e+00 : f32
    %max3A_3 = vector.broadcast %max3A : f32 to vector<4096xf32>
    %max3A_4 = arith.maximumf %reduce_sum3A_2, %max3A_3 : vector<4096xf32>
    %reshape3A = vector.shape_cast %max3A_4 : vector<4096xf32> to vector<4096x1xf32>
    %get3A_5 = arith.constant 0 : index
    %get3A_6 = arith.constant 0 : index
    %get3A_7 = vector.load %arg1[%get3A_5, %get3A_6] : memref<512x4096xf32, #tpu.memory_space<vmem>>, vector<512x4096xf32>
    %dot_general3A = arith.constant dense<0.000000e+00> : vector<512x1xf32>
    %dot_general3A_8 = tpu.matmul %get3A_7, %reshape3A, %dot_general3A {dimension_numbers = #tpu.dot_dimension_numbers<[1], [0], [0], [1], [0, 0, 1, 1], [], []>, transpose_lhs_hint = false} : vector<512x4096xf32>, vector<4096x1xf32>, vector<512x1xf32> -> vector<512x1xf32>
    %eq3A = arith.constant 0 : i32
    %eq3A_9 = arith.cmpi eq, %arg0, %eq3A : i32
    %convert_element_type3A = arith.extui %eq3A_9 : i1 to i32
    %cond3A = arith.constant 0 : i32
    %cond3A_10 = arith.cmpi ne, %convert_element_type3A, %cond3A : i32
    scf.if %cond3A_10 {
      %get3A_15 = arith.constant 0 : index
      %get3A_16 = arith.constant 0 : index
      %get3A_17 = vector.load %arg3[%get3A_15, %get3A_16] : memref<512x1xf32, #tpu.memory_space<vmem>>, vector<512x1xf32>
      %add3A = arith.addf %get3A_17, %dot_general3A_8 : vector<512x1xf32>
      %swap3A = arith.constant 0 : index
      %swap3A_18 = arith.constant 0 : index
      %swap3A_19 = vector.load %arg4[%swap3A, %swap3A_18] : memref<512x1xf32, #tpu.memory_space<vmem>>, vector<512x1xf32>
      tpu.vector_store %arg4[%swap3A, %swap3A_18], %add3A {strides = array<i32>} : memref<512x1xf32, #tpu.memory_space<vmem>>, vector<512x1xf32>,
    } else {
    }
    %gt3A = arith.constant 0 : i32
    %gt3A_11 = arith.cmpi sgt, %arg0, %gt3A : i32
    %convert_element_type3A_12 = arith.extui %gt3A_11 : i1 to i32
    %cond3A_13 = arith.constant 0 : i32
    %cond3A_14 = arith.cmpi ne, %convert_element_type3A_12, %cond3A_13 : i32
    scf.if %cond3A_14 {
      %get3A_15 = arith.constant 0 : index
      %get3A_16 = arith.constant 0 : index
      %get3A_17 = vector.load %arg4[%get3A_15, %get3A_16] : memref<512x1xf32, #tpu.memory_space<vmem>>, vector<512x1xf32>
      %add3A = arith.addf %get3A_17, %dot_general3A_8 : vector<512x1xf32>
      %swap3A = arith.constant 0 : index
      %swap3A_18 = arith.constant 0 : index
      %swap3A_19 = vector.load %arg4[%swap3A, %swap3A_18] : memref<512x1xf32, #tpu.memory_space<vmem>>, vector<512x1xf32>
      tpu.vector_store %arg4[%swap3A, %swap3A_18], %add3A {strides = array<i32>} : memref<512x1xf32, #tpu.memory_space<vmem>>, vector<512x1xf32>,
    } else {
    }
    return
  }
  func.func @transform_0(%arg0: i32) -> (i32, i32) {
    %c0_i32 = arith.constant 0 : i32
    %c0_i32_0 = arith.constant 0 : i32
    return %c0_i32, %arg0 : i32, i32
  }
  func.func @transform_1(%arg0: i32) -> (i32, i32) {
    %c0_i32 = arith.constant 0 : i32
    %c0_i32_0 = arith.constant 0 : i32
    return %c0_i32, %arg0 : i32, i32
  }
  func.func @transform_2(%arg0: i32) -> (i32, i32) {
    %c0_i32 = arith.constant 0 : i32
    %c0_i32_0 = arith.constant 0 : i32
    %c0_i32_1 = arith.constant 0 : i32
    return %c0_i32, %c0_i32_0 : i32, i32
  }
  func.func @transform_3(%arg0: i32) -> (i32, i32) {
    %c0_i32 = arith.constant 0 : i32
    %c0_i32_0 = arith.constant 0 : i32
    %c0_i32_1 = arith.constant 0 : i32
    return %c0_i32, %c0_i32_0 : i32, i32
  }
}

</mosaic_0001>

<sc_bundles>
// kernel: kernel.5.cloned.1.call-start
scs
__scs_entry_jumppad:
0x0: {  	(pc) =	sbr.rel $0x88, $3  }
0x1: {  	(tag) =	ssettag $0x0;
	lr =	simm.s32 $0x1  }
0x2: {  	[smem:$0x3F99] =	sst lr;
	_ =	strace $0xD0000000  }
0x3: {  	_ = 	snop  }
0x4: {  	_ = 	snop  }
0x5: {  	_ = 	snop  }
0x6: {  	_ = 	snop  }
0x7: {  	_ = 	snop  }
__scs_overlays_trampoline_lowered:
0x8: {  	[smem:$0x3FA8] =	sst s0  }
0x9: {  	[smem:$0x3FA9] =	sst s1  }
0xa: {  	[smem:$0x3FAA] =	sst s2  }
0xb: {  	[smem:$0x3FAB] =	sst s3  }
0xc: {  	[smem:$0x3FAC] =	sst s4  }
0xd: {  	[smem:$0x3FAD] =	sst s5  }
0xe: {  	[smem:$0x3FAE] =	sst s6  }
0xf: {  	[smem:$0x3FAF] =	sst s7  }
0x10: {  	[smem:$0x3FB0] =	sst s8  }
0x11: {  	[smem:$0x3FB1] =	sst s9;
	s0 =	simm.s32 @!p0 $0x0  }
0x12: {  	s1 =	sld [smem:$0x3F97];
	s0 =	simm.s32 @p0 $0x1  }
0x13: {  	[smem:$0x3FB2] =	sst s0;
	s0 =	simm.s32 @!p1 $0x0  }
0x14: {  	s2 =	sld [smem:$0x3F96];
	s0 =	simm.s32 @p1 $0x1  }
0x15: {  	[smem:$0x3FB3] =	sst s0;
	s0 =	simm.s32 @!p2 $0x0  }
0x16: {  	s3 =	sld [smem:$0x3FDB];
	s0 =	simm.s32 @p2 $0x1  }
0x17: {  	s4 =	simm.s32 $0x1BF5;
	[smem:$0x3FB5] =	sst s0  }
0x18: {  	s0 =	sld [smem:$0x3F98];
	_ =	swait.ge [sflag:s4], $0x0  }
0x19: {  	s7 =	sld [smem:$0x3F99]  }
0x1a: {  	s8 =	sadd.s32 $0xFFFFE003, lr  }
0x1b: {  	s9 =	sadd.s32 $0xFFFFFEF7, lr;
	s5 =	simm.s32 $0xFFFFFFFF;
	p2 =	slt.u32 s8, $0xFFFFF086  }
0x1c: {  	p1 =	slt.u32 s9, $0xF7A;
	s5 =	simm.s32 @!p2 $0x0  }
0x1d: {  	s5 =	simm.s32 @p1 $0x1;
	p0 =	seq.s32 s7, s2  }
0x1e: {  	s7 =	smul.u32 @!p0 $0xF7A, s2;
	p2 =	seq.s32 @!p0 s5, $0x0  }
0x1f: {  	s9 =	smul.u32 $0xF7A, s1;
	s8 =	simm.s32 @!p0 $0x1BF5;
	p2 =	por !p2, p0  }
0x20: {  	[sflag:s8] =	ssyncset.s32 @!p0 $0xFFFFF086;
	s6 =	sadd.s32 @!p0 s3, s7;
	s7 =	simm.s32 @!p0 $0x108  }
0x21: {  	s3 =	sadd.s32 s3, s9;
	s6 =	sadd.s32 @!p0 $0x88, s6;
	s7 =	simm.s32 @p2 $0x1082  }
0x22: {  	[simem:s7], [sflag:s8] =	dma.local @!p0 [hbm:s6], $0xF7A  }
0x23: {  	s9 =	sor.u32 $0xD0000000, s2;
	s6 =	simm.s32 $0x108;
	_ =	swait.ge @!p0 [sflag:s8], $0x0  }
0x24: {  	s3 =	sadd.s32 $0x88, s3;
	s6 =	simm.s32 @!p1 $0x1082;
	[sflag:s4] =	ssyncset.s32 $0xFFFFF086  }
0x25: {  	[simem:s6], [sflag:s4] =	dma.local [hbm:s3], $0xF7A  }
0x26: {  	[smem:$0x3F99] =	sst s1;
	(tag) =	ssettag s2;
	_ =	strace s9  }
0x27: {  	s1 =	sld [smem:$0x3FA9]  }
0x28: {  	s2 =	sld [smem:$0x3FAA]  }
0x29: {  	s4 =	sld [smem:$0x3FAC]  }
0x2a: {  	p0 =	seq.s32 s5, $0x0;
	s5 =	sld [smem:$0x3FAD]  }
0x2b: {  	s6 =	sld [smem:$0x3FAE]  }
0x2c: {  	s7 =	sld [smem:$0x3FAF]  }
0x2d: {  	s3 =	simm.s32 $0x108;
	s8 =	sld [smem:$0x3FB0]  }
0x2e: {  	s3 =	simm.s32 @!p0 $0x1082;
	s9 =	sld [smem:$0x3FB1]  }
0x2f: {  	lr =	sadd.s32 s0, s3;
	s0 =	sld [smem:$0x3FA8]  }
0x30: {  	s3 =	sld [smem:$0x3FAB]  }
0x31: {  	[smem:$0x3FB4] =	sst s10  }
0x32: {  	s10 =	sld [smem:$0x3FB2];
	_ =	sdelay $0x3  }
0x33: {  	p0 =	seq.s32 s10, $0x1;
	s10 =	sld [smem:$0x3FB4];
	_ =	sdelay $0x3  }
0x34: {  	[smem:$0x3FB4] =	sst s10  }
0x35: {  	s10 =	sld [smem:$0x3FB3];
	_ =	sdelay $0x3  }
0x36: {  	p1 =	seq.s32 s10, $0x1;
	s10 =	sld [smem:$0x3FB4];
	_ =	sdelay $0x3  }
0x37: {  	[smem:$0x3FB4] =	sst s10  }
0x38: {  	s10 =	sld [smem:$0x3FB5]  }
0x39: {  	_ = 	snop;
	(pc) =	sbr.ind lr, $3  }
0x3a: {  	_ = 	snop  }
0x3b: {  	_ = 	snop  }
0x3c: {  	p2 =	seq.s32 s10, $0x1;
	s10 =	sld [smem:$0x3FB4]  }
0x3d: {  	_ =	shalt  }
0x3e: {  	_ =	shalt  }
0x3f: {  	_ =	shalt  }
0x40: {  	_ =	shalt  }
0x41: {  	_ =	shalt  }
0x42: {  	_ =	shalt  }
0x43: {  	_ =	shalt  }
0x44: {  	_ =	shalt  }
0x45: {  	_ =	shalt  }
0x46: {  	_ =	shalt  }
0x47: {  	_ =	shalt  }
0x48: {  	_ =	shalt  }
0x49: {  	_ =	shalt  }
0x4a: {  	_ =	shalt  }
0x4b: {  	_ =	shalt  }
0x4c: {  	_ =	shalt  }
0x4d: {  	_ =	shalt  }
0x4e: {  	_ =	shalt  }
0x4f: {  	_ =	shalt  }
0x50: {  	_ =	shalt  }
0x51: {  	_ =	shalt  }
0x52: {  	_ =	shalt  }
0x53: {  	_ =	shalt  }
0x54: {  	_ =	shalt  }
0x55: {  	_ =	shalt  }
0x56: {  	_ =	shalt  }
0x57: {  	_ =	shalt  }
0x58: {  	_ =	shalt  }
0x59: {  	_ =	shalt  }
0x5a: {  	_ =	shalt  }
0x5b: {  	_ =	shalt  }
0x5c: {  	_ =	shalt  }
0x5d: {  	_ =	shalt  }
0x5e: {  	_ =	shalt  }
0x5f: {  	_ =	shalt  }
0x60: {  	_ =	shalt  }
0x61: {  	_ =	shalt  }
0x62: {  	_ =	shalt  }
0x63: {  	_ =	shalt  }
0x64: {  	_ =	shalt  }
0x65: {  	_ =	shalt  }
0x66: {  	_ =	shalt  }
0x67: {  	_ =	shalt  }
0x68: {  	_ =	shalt  }
0x69: {  	_ =	shalt  }
0x6a: {  	_ =	shalt  }
0x6b: {  	_ =	shalt  }
0x6c: {  	_ =	shalt  }
0x6d: {  	_ =	shalt  }
0x6e: {  	_ =	shalt  }
0x6f: {  	_ =	shalt  }
0x70: {  	_ =	shalt  }
0x71: {  	_ =	shalt  }
0x72: {  	_ =	shalt  }
0x73: {  	_ =	shalt  }
0x74: {  	_ =	shalt  }
0x75: {  	_ =	shalt  }
0x76: {  	_ =	shalt  }
0x77: {  	_ =	shalt  }
0x78: {  	_ =	shalt  }
0x79: {  	_ =	shalt  }
0x7a: {  	_ =	shalt  }
0x7b: {  	_ =	shalt  }
0x7c: {  	_ =	shalt  }
0x7d: {  	_ =	shalt  }
0x7e: {  	_ =	shalt  }
0x7f: {  	_ =	shalt  }
0x80: {  	_ =	shalt  }
0x81: {  	_ =	shalt  }
0x82: {  	_ =	shalt  }
0x83: {  	_ =	shalt  }
0x84: {  	_ =	shalt  }
0x85: {  	_ =	shalt  }
0x86: {  	_ =	shalt  }
0x87: {  	_ =	shalt  }
.Lfunc_end0:
.L_simem_size_0:
called_computation_lowered:
.L_overlay_start_0:
0x88: {  	s2 =	sld [smem:$0x3FD9]  }
0x89: {  	s3 =	sld [smem:$0x3FFE];
	_ =	sdelay $0x1  }
0x8a: {  	s1 =	srdreg.scid  }
0x8b: {  	s0 =	sand.u32 $0x1, s1  }
0x8c: {  	s17 =	sshll.u32 s0, $0xA;
	s2 =	sadd.s32 s3, s2  }
0x8d: {  	s2 =	sadd.s32 s2, s17  }
0x8e: {  	[smem:$0x3FC0] =	sst s2  }
0x8f: {  	_ = 	snop  }
0x90: {  	s2 =	sld [smem:$0x3FC8]  }
0x91: {  	s18 =	sld [smem:$0x3FC7]  }
0x92: {  	s4 =	sld [smem:$0x3FC6];
	(tm) =	ssettm $0x1  }
0x93: {  	s5 =	sld [smem:$0x3FFB];
	_ =	sdelay $0x3  }
0x94: {  	_ =	strace s5  }
0x95: {  	s5 =	sld [smem:$0x3FFC];
	_ =	sdelay $0x3  }
0x96: {  	_ =	strace s5  }
0x97: {  	s5 =	sld [smem:$0x3FFD];
	_ =	sdelay $0x3  }
0x98: {  	_ =	strace s5  }
0x99: {  	_ =	strace $0x8FFFFFFF  }
0x9a: {  	s19 =	sld [smem:$0x3FDB];
	_ =	sdelay $0x1  }
0x9b: {  	s6 =	simm.s32 $_scs_section_size  }
0x9c: {  	s7 =	simm.s32 $_size__tile_overlayer_lowered;
	s8 =	simm.s32 $_tile_overlayer_lowered  }
0x9d: {  	s22 =	simm.s32 $0x1BFF;
	s21 =	sshll.u32 s8, $0x1;
	s5 =	sadd.s32 s6, s19  }
0x9e: {  	s9 =	simm.s32 $0x0;
	s20 =	sshll.u32 s7, $0x1;
	s7 =	sadd.s32 s21, s5  }
0x9f: {  	[timem:s9], [sflag:s22] =	dma.local [hbm:s7], s20  }
0xa0: {  	_ =	swait.ge [sflag:s22], s20  }
0xa1: {  	s6 =	ssub.s32 $0x0, s20;
	[sflag:s22] =	ssyncset.done $0x0  }
0xa2: {  	[sflag:s22] =	ssyncadd.s32 s6;
	_ =	sdelay $0x1  }
0xa3: {  	s23 =	simm.s32 $0x1B8B  }
0xa4: {  	_ =	swait.ge [sflag:s23], $0x1  }
0xa5: {  	[sflag:s23] =	ssyncset.done $0x0  }
0xa6: {  	s25 =	simm.s32 $0x1B8E;
	s24 =	sld [smem:$0x3FFE];
	[sflag:s23] =	ssyncadd.s32 $0xFFFFFFFF  }
0xa7: {  	s26 =	simm.s32 $execute0_lowered;
	[smem:$0x3FD2] =	sst s25  }
0xa8: {  	s7 =	sshll.u32 s26, $0x1;
	_ =	strace $0x80000046;
	[dreg:$0x1] =	wrdreg $0xFFFFFFFF  }
0xa9: {  	s28 =	simm.s32 $_size_execute0_lowered;
	s5 =	sadd.s32 s5, s7;
	[dreg:$0x0] =	wrdreg $0x0  }
0xaa: {  	s7 =	sshll.u32 s28, $0x1;
	[dreg:$0x2] =	wrdreg s5  }
0xab: {  	[dreg:$0x3] =	wrdreg s7  }
0xac: {  	[dreg:$0x4] =	wrdreg $0xC0  }
0xad: {  	_ =	task [dreg:s9], $0x5FFFF  }
0xae: {  	[dreg:$0x1] =	wrdreg $0xFFFFFFFF  }
0xaf: {  	[dreg:$0x0] =	wrdreg $0x60  }
0xb0: {  	[dreg:$0x2] =	wrdreg s24  }
0xb1: {  	[dreg:$0x3] =	wrdreg s18  }
0xb2: {  	[dreg:$0x4] =	wrdreg s4  }
0xb3: {  	[dreg:$0x5] =	wrdreg s2  }
0xb4: {  	[dreg:$0x6] =	wrdreg $0x1A0000  }
0xb5: {  	[dreg:$0x7] =	wrdreg $0x9  }
0xb6: {  	_ =	task.clear_ibuf [dreg:s9], $0x8FFFF;
	_ =	strace $0x90000046  }
0xb7: {  	s29 =	simm.s32 $0x9;
	_ =	strace $0x80000048  }
0xb8: {  	_ =	swait.ge [sflag:s29], $0x1  }
0xb9: {  	[sflag:s29] =	ssyncadd.s32 $0xFFFFFFFF  }
0xba: {  	_ =	strace $0x90000048  }
0xbb: {  	_ =	sfence  }
0xbc: {  	s30 =	sld [smem:$0x0];
	_ =	sdelay $0x2  }
0xbd: {  	s31 =	sshll.u32 s1, $0xD;
	s1 =	sshrl.u32 s1, $0x2  }
0xbe: {  	s3 =	sand.u32 $0x4000, s31;
	s1 =	sadd.s32 s1, s30  }
0xbf: {  	s0 =	sor.u32 s3, s0;
	s1 =	sshll.u32 s1, $0x11  }
0xc0: {  	s0 =	sor.u32 s1, s0  }
0xc1: {  	s0 =	sadd.s32 $0x8F2B, s0  }
0xc2: {  	[sflag:s0] =	ssyncadd.remote.s32 $0x1  }
0xc3: {  	_ =	sfence.sel $0xFFFF  }
0xc4: {  	[dreg:$0x0] =	wrdreg $0xFFFFFFFF;
	(pc) =	sbr.abs _section_cstart, $3  }
0xc5: {  	[dreg:$0x1] =	wrdreg $0xFFFFFFFF  }
0xc6: {  	_ =	task.clear_ibuf [dreg:s9], $0x2FFFF;
	_ =	strace $0x9FFFFFFF  }
0xc7: {  	(tm) =	ssettm $0x7FFFFFFF  }
tec
execute0_lowered:
.L_overlay_start_1:
0x0: {  	(tag) =	ssettag $0x1  }
0x1: {  	s2 =	rddreg [dreg:$0x0]  }
0x2: {  	s0 =	rddreg [dreg:$0x1];
	s3 =	srdreg.scid  }
0x3: {  	s4 =	stileid.u32;
	s1 =	rddreg [dreg:$0x2]  }
0x4: {  	s13 =	rddreg [dreg:$0x4];
	s6 =	simm.s32 $0x0;
	s18 =	simm.s32 $0x7  }
0x5: {  	s15 =	simm.s32 $0x10000;
	s21 =	simm.s32 $0x12000;
	s28 =	simm.s32 $0x4  }
0x6: {  	s29 =	simm.s32 $0x19000;
	s30 =	simm.s32 $0x5;
	s31 =	simm.s32 $0x6  }
0x7: {  	s20 =	simm.s32 $0x0;
	s7 =	sand.u32 $0x1, s3;
	s3 =	rddreg [dreg:$0x3]  }
0x8: {  	s5 =	sshll.u32 s4, $0x1;
	[smem:$0x7FF] =	sst s6;
	s9 =	sadd.s32 $0x400, s2  }
0x9: {  	p0 =	sne.s32 s4, $0x0;
	s10 =	sor.u32 s7, s5;
	_ =	strace $0x80000047  }
0xa: {  	s7 =	ssub.s32 $0x2, s7;
	[dreg:$0x6] =	wrdreg s9;
	s17 =	sshrl.u32 @!p0 s13, $0x3  }
0xb: {  	s5 =	sshll.u32 s10, $0x10;
	s8 =	sshll.u32 s10, $0x7;
	s22 =	sshrl.u32 s7, $0x1  }
0xc: {  	s24 =	sshll.u32 s10, $0xE;
	s9 =	sshll.u32 s10, $0x11;
	s10 =	sshll.u32 s10, $0xD  }
0xd: {  	s8 =	sor.u32 s8, s5;
	s23 =	ssub.s32 s7, s22;
	s12 =	sadd.s32 s0, s24  }
0xe: {  	s25 =	sadd.s32 s1, s24;
	s7 =	sadd.s32 s3, s24;
	[dreg:$0x7] =	wrdreg s12  }
0xf: {  	s22 =	simm.s32 $0x16000;
	s8 =	sand.u32 $0x180380, s8;
	[dreg:$0x8] =	wrdreg s25  }
0x10: {  	s24 =	simm.s32 $0x3;
	[dreg:$0xa] =	wrdreg s7;
	s8 =	sshrl.u32 s8, $0x3  }
0x11: {  	s11 =	sadd.s32 s8, s2;
	s8 =	sadd.s32 $0x2400, s2;
	s2 =	smax.u32 s23, $0x1  }
0x12: {  	s12 =	sor.u32 $0x4000, s9;
	s10 =	sadd.s32 s8, s10;
	[dreg:$0xc] =	wrdreg s2  }
0x13: {  	s25 =	simm.s32 $0x18000;
	s26 =	sadd.s32 $0x42400, s11;
	[dreg:$0x9] =	wrdreg s10  }
0x14: {  	v0 =	vimm.f32 $0.0e+00;
	s23 =	simm.s32 $0x1;
	[dreg:$0xb] =	wrdreg s26;
	s26 =	simm.s32 $0x2  }
.LBB2_1:
0x15: {  	s2 =	simm.s32 @!p0 $0x1C07;
	s4 =	rddreg [dreg:$0x6]  }
0x16: {  	[spmem:s17], [sflag:s2] =	dma.local @!p0 [hbm:s4], $0x2000  }
0x17: {  	s2 =	simm.s32 @!p0 $0x7  }
0x18: {  	_ =	swait.ge @!p0 [sflag:s2], $0x2000  }
0x19: {  	[sflag:s2] =	ssyncset.done @!p0 $0x0  }
0x1a: {  	[sflag:s2] =	ssyncadd.s32 @!p0 $0xFFFFE000  }
0x1b: {  	[bflag:$0x0] =	sbarrier.arrive $0xFFFF  }
0x1c: {  	s13 =	rddreg [dreg:$0x4]  }
0x1d: {  	[tilespmem:s6], [sflag:$0x7] =	stream.linear.gather [spmem:s13], $0x10000, $0x38;
	[tilespmem:$0x1B000] =	vst v63  }
0x1e: {  	_ =	swait.ge [sflag:s18], $0x10000  }
0x1f: {  	[sflag:s18] =	ssyncset.done $0x0  }
0x20: {  	s14 =	rddreg [dreg:$0x7];
	[sflag:s18] =	ssyncadd.s32 $0xFFFF0000  }
0x21: {  	[tilespmem:s15], [sflag:$0x1] =	stream.linear.gather [hbm4b:s14+s6], $0x2000, $0x38;
	[tilespmem:$0x1B000] =	vst v63  }
0x22: {  	s19 =	simm.s32 $0x14000;
	s2 =	simm.s32 $0x0;
	s16 =	rddreg [dreg:$0x8]  }
0x23: {  	[tilespmem:s19], [sflag:$0x3] =	stream.linear.gather [hbm4b:s16+s6], $0x2000, $0x38;
	[tilespmem:$0x1B000] =	vst v63  }
.LBB2_2:
0x24: {  	s4 =	sshllo.u32 s2, $0x1  }
0x25: {  	s7 =	sshll.u32 s4, $0xD  }
0x26: {  	s7 =	sadd.s32 s9, s7  }
0x27: {  	s7 =	sshrl.u32 s7, $0x3  }
0x28: {  	s10 =	sadd.s32 s0, s7  }
0x29: {  	[tilespmem:s21], [sflag:$0x2] =	stream.linear.gather [hbm4b:s10+s6], $0x2000, $0x38;
	[tilespmem:$0x1B000] =	vst v63  }
0x2a: {  	s7 =	sadd.s32 s1, s7  }
0x2b: {  	[tilespmem:s22], [sflag:$0x4] =	stream.linear.gather [hbm4b:s7+s6], $0x2000, $0x38;
	[tilespmem:$0x1B000] =	vst v63  }
0x2c: {  	_ =	swait.ge [sflag:s23], $0x2000  }
0x2d: {  	[sflag:s23] =	ssyncset.done $0x0  }
0x2e: {  	[sflag:s23] =	ssyncadd.s32 $0xFFFFE000  }
0x2f: {  	_ =	swait.ge [sflag:s24], $0x2000  }
0x30: {  	p1 =	seq.s32 s2, $0x0;
	[sflag:s24] =	ssyncset.done $0x0  }
0x31: {  	s7 =	simm.s32 @!p1 $0x5;
	[sflag:s24] =	ssyncadd.s32 $0xFFFFE000  }
0x32: {  	_ =	swait.ge @!p1 [sflag:s7], $0x1000  }
0x33: {  	[sflag:s7] =	ssyncset.done @!p1 $0x0  }
0x34: {  	s16 =	simm.s32 $0x40;
	[sflag:s7] =	ssyncadd.s32 @!p1 $0xFFFFF000;
	s7 =	simm.s32 $0x10040  }
0x35: {  	s11 =	simm.s32 $0x20;
	s13 =	sor.u32 $0x50, s16;
	v1 =	vld [tilespmem:s7+$0x0]  }
0x36: {  	s19 =	simm.s32 $0x60;
	s11 =	sor.u32 $0x30, s11;
	v2 =	vld [tilespmem:s13+$0x10000]  }
0x37: {  	s19 =	sor.u32 $0x70, s19;
	v3 =	vld [tilespmem:s11+$0x10000]  }
0x38: {  	v4 =	vld [tilespmem:s19+$0x10000]  }
0x39: {  	v5 =	vld [tilespmem:s7+$0xFFFFFFD0]  }
0x3a: {  	v6 =	vld [tilespmem:s7+$0xFFFFFFE0]  }
0x3b: {  	s10 =	simm.s32 $0x14040;
	v7 =	vld [tilespmem:s7+$0x20]  }
0x3c: {  	v8 =	vld [tilespmem:s10+$0x0]  }
0x3d: {  	v11 =	vld [tilespmem:s13+$0x14000]  }
0x3e: {  	v12 =	vld [tilespmem:s7+$0xFFFFFFC0]  }
0x3f: {  	v9 =	vld.idx.msk [tilespmem:v1+s6+$0x0], $0xffff  }
0x40: {  	v10 =	vld.idx.msk [tilespmem:v2+s6+$0x0], $0xffff  }
0x41: {  	v13 =	vld.idx.msk [tilespmem:v3+s6+$0x0], $0xffff  }
0x42: {  	v4 =	vld.idx.msk [tilespmem:v4+s6+$0x0], $0xffff  }
0x43: {  	v3 =	vld.idx.msk [tilespmem:v5+s6+$0x0], $0xffff  }
0x44: {  	v2 =	vld.idx.msk [tilespmem:v6+s6+$0x0], $0xffff  }
0x45: {  	v1 =	vld.idx.msk [tilespmem:v7+s6+$0x0], $0xffff  }
0x46: {  	v5 =	vld [tilespmem:s11+$0x14000]  }
0x47: {  	v7 =	vld [tilespmem:s19+$0x14000]  }
0x48: {  	v6 =	vld.idx.msk [tilespmem:v12+s6+$0x0], $0xffff;
	v9 =	vmul.f32 v8, v9;
	v10 =	vmul.f32 v11, v10  }
0x49: {  	v8 =	vld [tilespmem:s10+$0xFFFFFFC0]  }
0x4a: {  	s11 =	simm.s32 $0x18020;
	v10 =	vpack.i.f32.bf16 v10, v9;
	v9 =	vld [tilespmem:s10+$0xFFFFFFD0]  }
0x4b: {  	s13 =	simm.s32 $0xE0;
	s19 =	simm.s32 $0x0;
	v5 =	vmul.f32 v5, v13;
	[tilespmem:s11+$0x0] =	vst v10;
	v10 =	vld [tilespmem:s10+$0xFFFFFFE0]  }
.LBB2_3:
0x4c: {  	s14 =	sadd.s32 $0xFFFFFFE0, s13;
	s19 =	sadd.s32 $0x4, s19;
	v11 =	vld [tilespmem:s10+$0x20];
	v4 =	vmul.f32 v7, v4;
	s7 =	sadd.s32 $0x80, s7  }
0x4d: {  	s15 =	sadd.s32 $0xFFFFFFC0, s13;
	v7 =	vld [tilespmem:s7+$0x0];
	s14 =	sor.u32 $0x50, s14;
	p2 =	slt.u32 s19, $0xFC  }
0x4e: {  	s16 =	sor.u32 $0x70, s13;
	s15 =	sor.u32 $0x30, s15;
	v12 =	vld [tilespmem:s14+$0x10000];
	v6 =	vmul.f32 v8, v6  }
0x4f: {  	v8 =	vld [tilespmem:s15+$0x10000];
	v3 =	vmul.f32 v9, v3  }
0x50: {  	v9 =	vld [tilespmem:s16+$0x10000];
	v2 =	vmul.f32 v10, v2  }
0x51: {  	v10 =	vld [tilespmem:s7+$0xFFFFFFD0];
	v3 =	vpack.i.f32.bf16 v3, v6;
	v1 =	vmul.f32 v11, v1  }
0x52: {  	v6 =	vld [tilespmem:s7+$0xFFFFFFE0];
	[tilespmem:s11+$0xFFFFFFE0] =	vst v3;
	v2 =	vpack.i.f32.bf16 v5, v2  }
0x53: {  	s10 =	sadd.s32 $0x80, s10;
	v5 =	vld [tilespmem:s7+$0x20];
	[tilespmem:s11+$0xFFFFFFF0] =	vst v2;
	v1 =	vpack.i.f32.bf16 v4, v1  }
0x54: {  	v11 =	vld [tilespmem:s10+$0x0];
	[tilespmem:s11+$0x10] =	vst v1  }
0x55: {  	v1 =	vld.idx.msk [tilespmem:v7+s6+$0x0], $0xffff  }
0x56: {  	v7 =	vld.idx.msk [tilespmem:v12+s6+$0x0], $0xffff  }
0x57: {  	v12 =	vld [tilespmem:s14+$0x14000]  }
0x58: {  	v13 =	vld [tilespmem:s7+$0xFFFFFFC0]  }
0x59: {  	v14 =	vld.idx.msk [tilespmem:v8+s6+$0x0], $0xffff  }
0x5a: {  	v4 =	vld.idx.msk [tilespmem:v9+s6+$0x0], $0xffff  }
0x5b: {  	v3 =	vld.idx.msk [tilespmem:v10+s6+$0x0], $0xffff  }
0x5c: {  	v2 =	vld.idx.msk [tilespmem:v6+s6+$0x0], $0xffff;
	v6 =	vmul.f32 v11, v1;
	v7 =	vmul.f32 v12, v7  }
0x5d: {  	v1 =	vld.idx.msk [tilespmem:v5+s6+$0x0], $0xffff  }
0x5e: {  	s11 =	sadd.s32 $0x40, s11;
	v5 =	vld [tilespmem:s15+$0x14000];
	v6 =	vpack.i.f32.bf16 v7, v6  }
.Ltmp0:
0x5f: {  	[tilespmem:s11+$0x0] =	vst v6;
	v7 =	vld [tilespmem:s16+$0x14000];
	(pc) =	sbr.rel @p2 .LBB2_3-.Ltmp0, $4  }
0x60: {  	v6 =	vld.idx.msk [tilespmem:v13+s6+$0x0], $0xffff  }
0x61: {  	v8 =	vld [tilespmem:s10+$0xFFFFFFC0]  }
0x62: {  	v9 =	vld [tilespmem:s10+$0xFFFFFFD0]  }
0x63: {  	s13 =	sadd.s32 $0x80, s13;
	v10 =	vld [tilespmem:s10+$0xFFFFFFE0];
	v5 =	vmul.f32 v5, v14  }
0x64: {  	v11 =	vld [tilespmem:s10+$0x20];
	_ =	sdelay $0x2  }
0x65: {  	v6 =	vmul.f32 v8, v6;
	v3 =	vmul.f32 v9, v3  }
0x66: {  	v2 =	vmul.f32 v10, v2  }
0x67: {  	v4 =	vmul.f32 v7, v4;
	s7 =	sshll.u32 s2, $0xD;
	v3 =	vpack.i.f32.bf16 v3, v6;
	v1 =	vmul.f32 v11, v1  }
0x68: {  	s7 =	sadd.s32 s5, s7;
	[tilespmem:s11+$0xFFFFFFE0] =	vst v3;
	v2 =	vpack.i.f32.bf16 v5, v2  }
0x69: {  	s7 =	sshrl.u32 s7, $0x3;
	[tilespmem:s11+$0xFFFFFFF0] =	vst v2;
	v1 =	vpack.i.f32.bf16 v4, v1  }
0x6a: {  	p2 =	seq.s32 s2, $0x7;
	s7 =	sadd.s32 s8, s7;
	[tilespmem:s11+$0x10] =	vst v1  }
0x6b: {  	[hbm4b:s7+s6] =	stream.linear.scatter [tilespmem:s25], [sflag:$0x5], $0x1000, $0x38;
	[tilespmem:$0x1B000] =	vst v63  }
0x6c: {  	s7 =	sshll.u32 @!p2 s2, $0xE  }
0x6d: {  	s7 =	sadd.s32 @!p2 s7, s12  }
0x6e: {  	s7 =	sshrl.u32 @!p2 s7, $0x3  }
0x6f: {  	s13 =	simm.s32 @!p2 $0x10000;
	s11 =	simm.s32 @!p2 $0x0;
	s10 =	sadd.s32 @!p2 s0, s7  }
0x70: {  	[tilespmem:s13], [sflag:$0x1] =	stream.linear.gather @!p2 [hbm4b:s10+s11], $0x2000, $0x38;
	[tilespmem:$0x1B000] =	vst v63  }
0x71: {  	s7 =	sadd.s32 @!p2 s1, s7;
	s10 =	simm.s32 @!p2 $0x14000  }
0x72: {  	[tilespmem:s10], [sflag:$0x3] =	stream.linear.gather @!p2 [hbm4b:s7+s11], $0x2000, $0x38;
	[tilespmem:$0x1B000] =	vst v63  }
0x73: {  	_ =	swait.ge [sflag:s26], $0x2000  }
0x74: {  	[sflag:s26] =	ssyncset.done $0x0  }
0x75: {  	[sflag:s26] =	ssyncadd.s32 $0xFFFFE000  }
0x76: {  	_ =	swait.ge [sflag:s28], $0x2000  }
0x77: {  	[sflag:s28] =	ssyncset.done $0x0  }
0x78: {  	s7 =	simm.s32 @!p1 $0x6;
	[sflag:s28] =	ssyncadd.s32 $0xFFFFE000  }
0x79: {  	_ =	swait.ge @!p1 [sflag:s7], $0x1000  }
0x7a: {  	[sflag:s7] =	ssyncset.done @!p1 $0x0  }
0x7b: {  	s14 =	simm.s32 $0x40;
	[sflag:s7] =	ssyncadd.s32 @!p1 $0xFFFFF000;
	s7 =	simm.s32 $0x12040  }
0x7c: {  	s15 =	simm.s32 $0x20;
	s16 =	sor.u32 $0x50, s14;
	v1 =	vld [tilespmem:s7+$0x0]  }
0x7d: {  	s19 =	simm.s32 $0x60;
	s11 =	sor.u32 $0x30, s15;
	v2 =	vld [tilespmem:s16+$0x12000]  }
0x7e: {  	s14 =	sor.u32 $0x70, s19;
	v3 =	vld [tilespmem:s11+$0x12000]  }
0x7f: {  	v4 =	vld [tilespmem:s14+$0x12000]  }
0x80: {  	v5 =	vld [tilespmem:s7+$0xFFFFFFD0]  }
0x81: {  	v6 =	vld [tilespmem:s7+$0xFFFFFFE0]  }
0x82: {  	s10 =	simm.s32 $0x16040;
	v7 =	vld [tilespmem:s7+$0x20]  }
0x83: {  	v8 =	vld [tilespmem:s10+$0x0]  }
0x84: {  	v11 =	vld [tilespmem:s16+$0x16000]  }
0x85: {  	v12 =	vld [tilespmem:s7+$0xFFFFFFC0]  }
0x86: {  	v9 =	vld.idx.msk [tilespmem:v1+s6+$0x0], $0xffff  }
0x87: {  	v10 =	vld.idx.msk [tilespmem:v2+s6+$0x0], $0xffff  }
0x88: {  	v13 =	vld.idx.msk [tilespmem:v3+s6+$0x0], $0xffff  }
0x89: {  	v4 =	vld.idx.msk [tilespmem:v4+s6+$0x0], $0xffff  }
0x8a: {  	v3 =	vld.idx.msk [tilespmem:v5+s6+$0x0], $0xffff  }
0x8b: {  	v2 =	vld.idx.msk [tilespmem:v6+s6+$0x0], $0xffff  }
0x8c: {  	v1 =	vld.idx.msk [tilespmem:v7+s6+$0x0], $0xffff  }
0x8d: {  	v5 =	vld [tilespmem:s11+$0x16000]  }
0x8e: {  	v7 =	vld [tilespmem:s14+$0x16000]  }
0x8f: {  	v6 =	vld.idx.msk [tilespmem:v12+s6+$0x0], $0xffff;
	v9 =	vmul.f32 v8, v9;
	v10 =	vmul.f32 v11, v10  }
0x90: {  	v8 =	vld [tilespmem:s10+$0xFFFFFFC0]  }
0x91: {  	s11 =	simm.s32 $0x19020;
	v10 =	vpack.i.f32.bf16 v10, v9;
	v9 =	vld [tilespmem:s10+$0xFFFFFFD0]  }
0x92: {  	s19 =	simm.s32 $0x0;
	s13 =	simm.s32 $0xE0;
	v5 =	vmul.f32 v5, v13;
	[tilespmem:s11+$0x0] =	vst v10;
	v10 =	vld [tilespmem:s10+$0xFFFFFFE0]  }
.LBB2_5:
0x93: {  	s14 =	sadd.s32 $0xFFFFFFE0, s13;
	s19 =	sadd.s32 $0x4, s19;
	v11 =	vld [tilespmem:s10+$0x20];
	v4 =	vmul.f32 v7, v4;
	s7 =	sadd.s32 $0x80, s7  }
0x94: {  	s15 =	sadd.s32 $0xFFFFFFC0, s13;
	v7 =	vld [tilespmem:s7+$0x0];
	s14 =	sor.u32 $0x50, s14;
	p1 =	slt.u32 s19, $0xFC  }
0x95: {  	s16 =	sor.u32 $0x70, s13;
	s15 =	sor.u32 $0x30, s15;
	v12 =	vld [tilespmem:s14+$0x12000];
	v6 =	vmul.f32 v8, v6  }
0x96: {  	v8 =	vld [tilespmem:s15+$0x12000];
	v3 =	vmul.f32 v9, v3  }
0x97: {  	v9 =	vld [tilespmem:s16+$0x12000];
	v2 =	vmul.f32 v10, v2  }
0x98: {  	v10 =	vld [tilespmem:s7+$0xFFFFFFD0];
	v3 =	vpack.i.f32.bf16 v3, v6;
	v1 =	vmul.f32 v11, v1  }
0x99: {  	v6 =	vld [tilespmem:s7+$0xFFFFFFE0];
	[tilespmem:s11+$0xFFFFFFE0] =	vst v3;
	v2 =	vpack.i.f32.bf16 v5, v2  }
0x9a: {  	s10 =	sadd.s32 $0x80, s10;
	v5 =	vld [tilespmem:s7+$0x20];
	[tilespmem:s11+$0xFFFFFFF0] =	vst v2;
	v1 =	vpack.i.f32.bf16 v4, v1  }
0x9b: {  	v11 =	vld [tilespmem:s10+$0x0];
	[tilespmem:s11+$0x10] =	vst v1  }
0x9c: {  	v1 =	vld.idx.msk [tilespmem:v7+s6+$0x0], $0xffff  }
0x9d: {  	v7 =	vld.idx.msk [tilespmem:v12+s6+$0x0], $0xffff  }
0x9e: {  	v12 =	vld [tilespmem:s14+$0x16000]  }
0x9f: {  	v13 =	vld [tilespmem:s7+$0xFFFFFFC0]  }
0xa0: {  	v14 =	vld.idx.msk [tilespmem:v8+s6+$0x0], $0xffff  }
0xa1: {  	v4 =	vld.idx.msk [tilespmem:v9+s6+$0x0], $0xffff  }
0xa2: {  	v3 =	vld.idx.msk [tilespmem:v10+s6+$0x0], $0xffff  }
0xa3: {  	v2 =	vld.idx.msk [tilespmem:v6+s6+$0x0], $0xffff;
	v6 =	vmul.f32 v11, v1;
	v7 =	vmul.f32 v12, v7  }
0xa4: {  	v1 =	vld.idx.msk [tilespmem:v5+s6+$0x0], $0xffff  }
0xa5: {  	s11 =	sadd.s32 $0x40, s11;
	v5 =	vld [tilespmem:s15+$0x16000];
	v6 =	vpack.i.f32.bf16 v7, v6  }
.Ltmp1:
0xa6: {  	[tilespmem:s11+$0x0] =	vst v6;
	v7 =	vld [tilespmem:s16+$0x16000];
	(pc) =	sbr.rel @p1 .LBB2_5-.Ltmp1, $4  }
0xa7: {  	v6 =	vld.idx.msk [tilespmem:v13+s6+$0x0], $0xffff  }
0xa8: {  	v8 =	vld [tilespmem:s10+$0xFFFFFFC0]  }
0xa9: {  	v9 =	vld [tilespmem:s10+$0xFFFFFFD0]  }
0xaa: {  	s13 =	sadd.s32 $0x80, s13;
	v10 =	vld [tilespmem:s10+$0xFFFFFFE0];
	v5 =	vmul.f32 v5, v14  }
0xab: {  	v11 =	vld [tilespmem:s10+$0x20];
	_ =	sdelay $0x2  }
0xac: {  	s2 =	sadd.s32 $0x1, s2;
	v6 =	vmul.f32 v8, v6;
	v3 =	vmul.f32 v9, v3  }
0xad: {  	p1 =	sne.s32 s2, $0x8;
	v2 =	vmul.f32 v10, v2  }
.Ltmp2:
0xae: {  	v4 =	vmul.f32 v7, v4;
	s4 =	sshll.u32 s4, $0xC;
	v3 =	vpack.i.f32.bf16 v3, v6;
	v1 =	vmul.f32 v11, v1;
	(pc) =	sbr.rel @p1 .LBB2_2-.Ltmp2, $4  }
0xaf: {  	s4 =	sadd.s32 s5, s4;
	[tilespmem:s11+$0xFFFFFFE0] =	vst v3;
	v2 =	vpack.i.f32.bf16 v5, v2  }
0xb0: {  	s4 =	sshrl.u32 s4, $0x3;
	[tilespmem:s11+$0xFFFFFFF0] =	vst v2;
	v1 =	vpack.i.f32.bf16 v4, v1  }
0xb1: {  	s4 =	sadd.s32 s8, s4;
	[tilespmem:s11+$0x10] =	vst v1  }
0xb2: {  	[hbm4b:s4+s6] =	stream.linear.scatter [tilespmem:s29], [sflag:$0x6], $0x1000, $0x38;
	[tilespmem:$0x1B000] =	vst v63  }
0xb3: {  	_ =	swait.ge [sflag:s30], $0x1000  }
0xb4: {  	[sflag:s30] =	ssyncset.done $0x0  }
0xb5: {  	[sflag:s30] =	ssyncadd.s32 $0xFFFFF000  }
0xb6: {  	_ =	swait.ge [sflag:s31], $0x1000  }
0xb7: {  	[sflag:s31] =	ssyncset.done $0x0  }
0xb8: {  	s2 =	simm.s32 $0x40;
	[sflag:s31] =	ssyncadd.s32 $0xFFFFF000  }
0xb9: {  	[tilespmem:s2+$0xFFFFFFC0] =	vst v0  }
0xba: {  	[tilespmem:s2+$0x30] =	vst v0  }
0xbb: {  	[tilespmem:s2+$0x20] =	vst v0  }
0xbc: {  	[tilespmem:s2+$0x10] =	vst v0  }
0xbd: {  	[tilespmem:s2+$0x0] =	vst v0  }
0xbe: {  	[tilespmem:s2+$0xFFFFFFF0] =	vst v0  }
0xbf: {  	s4 =	simm.s32 $0x0;
	[tilespmem:s2+$0xFFFFFFE0] =	vst v0  }
.LBB2_8:
0xc0: {  	s4 =	sadd.s32 $0x8, s4;
	[tilespmem:s2+$0xFFFFFFD0] =	vst v0;
	s2 =	sadd.s32 $0x80, s2  }
0xc1: {  	[tilespmem:s2+$0xFFFFFFC0] =	vst v0;
	p1 =	slt.u32 s4, $0xFF8  }
0xc2: {  	[tilespmem:s2+$0x30] =	vst v0  }
.Ltmp3:
0xc3: {  	[tilespmem:s2+$0x20] =	vst v0;
	(pc) =	sbr.rel @p1 .LBB2_8-.Ltmp3, $4  }
0xc4: {  	[tilespmem:s2+$0x10] =	vst v0  }
0xc5: {  	[tilespmem:s2+$0x0] =	vst v0  }
0xc6: {  	[tilespmem:s2+$0xFFFFFFF0] =	vst v0  }
0xc7: {  	[tilespmem:s2+$0xFFFFFFE0] =	vst v0  }
0xc8: {  	[tilespmem:s2+$0xFFFFFFD0] =	vst v0  }
0xc9: {  	s2 =	simm.s32 $0x0;
	s15 =	simm.s32 $0x10000;
	s4 =	rddreg [dreg:$0xa]  }
0xca: {  	[tilespmem:s15], [sflag:$0x1] =	stream.linear.gather [hbm4b:s4+s2], $0x2000, $0x38;
	[tilespmem:$0x1B000] =	vst v63  }
0xcb: {  	s19 =	rddreg [dreg:$0x9]  }
0xcc: {  	[tilespmem:s25], [sflag:$0x5] =	stream.linear.gather [hbm4b:s19+s2], $0x1000, $0x38;
	[tilespmem:$0x1B000] =	vst v63  }
.LBB2_10:
0xcd: {  	s4 =	sshllo.u32 s2, $0x1  }
0xce: {  	s7 =	sshll.u32 s4, $0xD  }
0xcf: {  	s4 =	sshll.u32 s4, $0xC;
	s7 =	sadd.s32 s9, s7  }
0xd0: {  	s4 =	sadd.s32 s5, s4;
	s7 =	sshrl.u32 s7, $0x3  }
0xd1: {  	s4 =	sshrl.u32 s4, $0x3;
	s7 =	sadd.s32 s3, s7  }
0xd2: {  	[tilespmem:s21], [sflag:$0x2] =	stream.linear.gather [hbm4b:s7+s6], $0x2000, $0x38;
	[tilespmem:$0x1B000] =	vst v63  }
0xd3: {  	s4 =	sadd.s32 s8, s4  }
0xd4: {  	[tilespmem:s29], [sflag:$0x6] =	stream.linear.gather [hbm4b:s4+s6], $0x1000, $0x38;
	[tilespmem:$0x1B000] =	vst v63  }
0xd5: {  	_ =	swait.ge [sflag:s23], $0x2000  }
0xd6: {  	[sflag:s23] =	ssyncset.done $0x0  }
0xd7: {  	[sflag:s23] =	ssyncadd.s32 $0xFFFFE000  }
0xd8: {  	s10 =	simm.s32 $0x60;
	_ =	swait.ge [sflag:s30], $0x1000  }
0xd9: {  	s11 =	simm.s32 $0x18020;
	s13 =	simm.s32 $0x10040;
	[sflag:s30] =	ssyncset.done $0x0  }
0xda: {  	s7 =	simm.s32 $0xFFFFFFFC;
	s4 =	sshll.u32 s2, $0x1;
	[sflag:s30] =	ssyncadd.s32 $0xFFFFF000  }
.LBB2_11:
0xdb: {  	v1 =	vld [tilespmem:s13+$0xFFFFFFC0];
	_ =	sdelay $0x1  }
0xdc: {  	v2 =	vld [tilespmem:s11+$0xFFFFFFE0];
	_ =	sdelay $0x4  }
0xdd: {  	v3 =	vunpack.i.l.bf16.f32 v2  }
0xde: {  	[tilespmem:v1+s6+$0x0] =	vst.idx.add.f32.msk $0xffff, v3  }
0xdf: {  	v1 =	vld [tilespmem:s13+$0xFFFFFFD0];
	_ =	sdelay $0x6  }
0xe0: {  	v2 =	vunpack.i.u.bf16.f32 v2  }
0xe1: {  	[tilespmem:v1+s6+$0x0] =	vst.idx.add.f32.msk $0xffff, v2  }
0xe2: {  	v1 =	vld [tilespmem:s13+$0xFFFFFFE0];
	_ =	sdelay $0x1  }
0xe3: {  	v2 =	vld [tilespmem:s11+$0xFFFFFFF0];
	_ =	sdelay $0x4  }
0xe4: {  	s14 =	sadd.s32 $0xFFFFFFC0, s10;
	v3 =	vunpack.i.l.bf16.f32 v2  }
0xe5: {  	s14 =	sor.u32 $0x30, s14;
	[tilespmem:v1+s6+$0x0] =	vst.idx.add.f32.msk $0xffff, v3  }
0xe6: {  	v1 =	vld [tilespmem:s14+$0x10000];
	_ =	sdelay $0x6  }
0xe7: {  	v2 =	vunpack.i.u.bf16.f32 v2  }
0xe8: {  	[tilespmem:v1+s6+$0x0] =	vst.idx.add.f32.msk $0xffff, v2  }
0xe9: {  	v1 =	vld [tilespmem:s13+$0x0];
	_ =	sdelay $0x1  }
0xea: {  	v2 =	vld [tilespmem:s11+$0x0];
	_ =	sdelay $0x4  }
0xeb: {  	s16 =	sadd.s32 $0xFFFFFFE0, s10;
	v3 =	vunpack.i.l.bf16.f32 v2  }
0xec: {  	s14 =	sor.u32 $0x50, s16;
	[tilespmem:v1+s6+$0x0] =	vst.idx.add.f32.msk $0xffff, v3  }
0xed: {  	v1 =	vld [tilespmem:s14+$0x10000];
	_ =	sdelay $0x6  }
0xee: {  	v2 =	vunpack.i.u.bf16.f32 v2  }
0xef: {  	[tilespmem:v1+s6+$0x0] =	vst.idx.add.f32.msk $0xffff, v2  }
0xf0: {  	v1 =	vld [tilespmem:s13+$0x20];
	_ =	sdelay $0x1  }
0xf1: {  	v2 =	vld [tilespmem:s11+$0x10];
	_ =	sdelay $0x4  }
0xf2: {  	v3 =	vunpack.i.l.bf16.f32 v2  }
0xf3: {  	s19 =	sor.u32 $0x70, s10;
	[tilespmem:v1+s6+$0x0] =	vst.idx.add.f32.msk $0xffff, v3  }
0xf4: {  	v1 =	vld [tilespmem:s19+$0x10000];
	_ =	sdelay $0x1  }
0xf5: {  	s7 =	sadd.s32 $0x4, s7  }
0xf6: {  	p1 =	slt.u32 s7, $0xFC  }
.Ltmp4:
0xf7: {  	_ = 	snop;
	(pc) =	sbr.rel @p1 .LBB2_11-.Ltmp4, $3  }
0xf8: {  	_ =	sdelay $0x1  }
0xf9: {  	v2 =	vunpack.i.u.bf16.f32 v2  }
0xfa: {  	s10 =	sadd.s32 $0x80, s10;
	s11 =	sadd.s32 $0x40, s11;
	s13 =	sadd.s32 $0x80, s13;
	[tilespmem:v1+s6+$0x0] =	vst.idx.add.f32.msk $0xffff, v2  }
0xfb: {  	p1 =	seq.s32 s2, $0x7  }
0xfc: {  	s4 =	sadd.s32 @!p1 $0x2, s4  }
0xfd: {  	s7 =	sshll.u32 @!p1 s4, $0xD  }
0xfe: {  	s4 =	sshll.u32 @!p1 s4, $0xC;
	s7 =	sadd.s32 @!p1 s9, s7  }
0xff: {  	s10 =	simm.s32 @!p1 $0x0;
	s4 =	sadd.s32 @!p1 s5, s4;
	s7 =	sshrl.u32 @!p1 s7, $0x3  }
0x100: {  	s11 =	simm.s32 @!p1 $0x10000;
	s4 =	sshrl.u32 @!p1 s4, $0x3;
	s7 =	sadd.s32 @!p1 s3, s7  }
0x101: {  	[tilespmem:s11], [sflag:$0x1] =	stream.linear.gather @!p1 [hbm4b:s7+s10], $0x2000, $0x38;
	[tilespmem:$0x1B000] =	vst v63  }
0x102: {  	s4 =	sadd.s32 @!p1 s8, s4;
	s7 =	simm.s32 @!p1 $0x18000  }
0x103: {  	[tilespmem:s7], [sflag:$0x5] =	stream.linear.gather @!p1 [hbm4b:s4+s10], $0x1000, $0x38;
	[tilespmem:$0x1B000] =	vst v63  }
0x104: {  	_ =	swait.ge [sflag:s26], $0x2000  }
0x105: {  	[sflag:s26] =	ssyncset.done $0x0  }
0x106: {  	[sflag:s26] =	ssyncadd.s32 $0xFFFFE000  }
0x107: {  	_ =	swait.ge [sflag:s31], $0x1000  }
0x108: {  	s11 =	simm.s32 $0x12040;
	s4 =	simm.s32 $0xFFFFFFFC;
	[sflag:s31] =	ssyncset.done $0x0  }
0x109: {  	s7 =	simm.s32 $0x60;
	s10 =	simm.s32 $0x19020;
	[sflag:s31] =	ssyncadd.s32 $0xFFFFF000  }
.LBB2_13:
0x10a: {  	v1 =	vld [tilespmem:s11+$0xFFFFFFC0];
	_ =	sdelay $0x1  }
0x10b: {  	v2 =	vld [tilespmem:s10+$0xFFFFFFE0];
	_ =	sdelay $0x4  }
0x10c: {  	v3 =	vunpack.i.l.bf16.f32 v2  }
0x10d: {  	[tilespmem:v1+s6+$0x0] =	vst.idx.add.f32.msk $0xffff, v3  }
0x10e: {  	v1 =	vld [tilespmem:s11+$0xFFFFFFD0];
	_ =	sdelay $0x6  }
0x10f: {  	v2 =	vunpack.i.u.bf16.f32 v2  }
0x110: {  	[tilespmem:v1+s6+$0x0] =	vst.idx.add.f32.msk $0xffff, v2  }
0x111: {  	v1 =	vld [tilespmem:s11+$0xFFFFFFE0];
	_ =	sdelay $0x1  }
0x112: {  	v2 =	vld [tilespmem:s10+$0xFFFFFFF0];
	_ =	sdelay $0x4  }
0x113: {  	s13 =	sadd.s32 $0xFFFFFFC0, s7;
	v3 =	vunpack.i.l.bf16.f32 v2  }
0x114: {  	s13 =	sor.u32 $0x30, s13;
	[tilespmem:v1+s6+$0x0] =	vst.idx.add.f32.msk $0xffff, v3  }
0x115: {  	v1 =	vld [tilespmem:s13+$0x12000];
	_ =	sdelay $0x6  }
0x116: {  	v2 =	vunpack.i.u.bf16.f32 v2  }
0x117: {  	[tilespmem:v1+s6+$0x0] =	vst.idx.add.f32.msk $0xffff, v2  }
0x118: {  	v1 =	vld [tilespmem:s11+$0x0];
	_ =	sdelay $0x1  }
0x119: {  	v2 =	vld [tilespmem:s10+$0x0];
	_ =	sdelay $0x4  }
0x11a: {  	s16 =	sadd.s32 $0xFFFFFFE0, s7;
	v3 =	vunpack.i.l.bf16.f32 v2  }
0x11b: {  	s13 =	sor.u32 $0x50, s16;
	[tilespmem:v1+s6+$0x0] =	vst.idx.add.f32.msk $0xffff, v3  }
0x11c: {  	v1 =	vld [tilespmem:s13+$0x12000];
	_ =	sdelay $0x6  }
0x11d: {  	v2 =	vunpack.i.u.bf16.f32 v2  }
0x11e: {  	[tilespmem:v1+s6+$0x0] =	vst.idx.add.f32.msk $0xffff, v2  }
0x11f: {  	v1 =	vld [tilespmem:s11+$0x20];
	_ =	sdelay $0x1  }
0x120: {  	v2 =	vld [tilespmem:s10+$0x10];
	_ =	sdelay $0x4  }
0x121: {  	v3 =	vunpack.i.l.bf16.f32 v2  }
0x122: {  	s19 =	sor.u32 $0x70, s7;
	[tilespmem:v1+s6+$0x0] =	vst.idx.add.f32.msk $0xffff, v3  }
0x123: {  	v1 =	vld [tilespmem:s19+$0x12000];
	_ =	sdelay $0x1  }
0x124: {  	s4 =	sadd.s32 $0x4, s4  }
0x125: {  	p1 =	slt.u32 s4, $0xFC  }
.Ltmp5:
0x126: {  	_ = 	snop;
	(pc) =	sbr.rel @p1 .LBB2_13-.Ltmp5, $3  }
0x127: {  	_ =	sdelay $0x1  }
0x128: {  	v2 =	vunpack.i.u.bf16.f32 v2  }
0x129: {  	s7 =	sadd.s32 $0x80, s7;
	s10 =	sadd.s32 $0x40, s10;
	s11 =	sadd.s32 $0x80, s11;
	[tilespmem:v1+s6+$0x0] =	vst.idx.add.f32.msk $0xffff, v2  }
0x12a: {  	s2 =	sadd.s32 $0x1, s2  }
0x12b: {  	p1 =	sne.s32 s2, $0x8  }
.Ltmp6:
0x12c: {  	_ = 	snop;
	(pc) =	sbr.rel @p1 .LBB2_10-.Ltmp6, $1  }
0x12d: {  	_ =	sdelay $0x3  }
0x12e: {  	s2 =	rddreg [dreg:$0xb];
	s4 =	simm.s32 $0x80;
	s7 =	simm.s32 $0x400  }
0x12f: {  	[hbm4b:s2+s4] =	stream.strided.scatter [tilespmem:s6], [sflag:$0x7], $0x10000, s7, s4, $0x38;
	[tilespmem:$0x1B000] =	vst v63  }
0x130: {  	_ =	swait.ge [sflag:s18], $0x10000  }
0x131: {  	s20 =	sadd.s32 $0x1, s20;
	s19 =	rddreg [dreg:$0xc]  }
0x132: {  	p1 =	sne.s32 s20, s19  }
.Ltmp7:
0x133: {  	_ = 	snop;
	(pc) =	sbr.rel @p1 .LBB2_1-.Ltmp7, $3  }
0x134: {  	_ =	sdelay $0x1  }
0x135: {  	[sflag:s18] =	ssyncset.done $0x0  }
0x136: {  	[sflag:s18] =	ssyncadd.s32 $0xFFFF0000  }
0x137: {  	_ =	sfence.sel $0x180000  }
0x138: {  	[bflag:$0x0] =	sbarrier.arrive $0xFFFF  }
0x139: {  	_ =	strace $0x90000047  }
0x13a: {  	[bflag:$0x2] =	sbarrier.arrive $0xFFFF  }
0x13b: {  	s0 =	rddreg [dreg:$0x5]  }
0x13c: {  	s0 =	sadd.s32 @!p0 $0x100000, s0  }
0x13d: {  	[sflag:s0] =	ssyncadd.tile.s32 @!p0 $0x1;
	_ =	shalt  }
.Lfunc_end2:
_tile_overlayer_lowered:
.L_overlay_start_2:
0x13e: {  	(tag) =	ssettag $0x2  }
0x13f: {  	s0 =	rddreg [dreg:$0x0];
	s2 =	stileid.u32  }
0x140: {  	s1 =	rddreg [dreg:$0x1];
	p0 =	sne.s32 s2, $0x0  }
0x141: {  	s3 =	rddreg [dreg:$0x2];
	[bflag:$0x3] =	sbarrier.arrive $0xFFFF;
	s2 =	simm.s32 @!p0 $0x1C07  }
0x142: {  	[timem:s3], [sflag:s2] =	dma.local @!p0 [hbm:s0], s1  }
0x143: {  	s0 =	simm.s32 @!p0 $0x7  }
0x144: {  	_ =	swait.ge @!p0 [sflag:s0], s1  }
0x145: {  	s1 =	ssub.s32 @!p0 $0x0, s1;
	[sflag:s0] =	ssyncset.done @!p0 $0x0  }
0x146: {  	[sflag:s0] =	ssyncadd.s32 @!p0 s1  }
0x147: {  	[bflag:$0x3] =	sbarrier.arrive $0xFFFF  }
0x148: {  	_ =	shalt  }

</sc_bundles>
